<compile_context>
chip_gen: v7x
topology: tpu7x:2x2x1
jax: 0.10.2.dev20260603
libtpu: 0.0.44.dev20260713+nightly
codegen_flags: <defaults>
</compile_context>

<pallas_src>
import functools

import jax
import jax.numpy as jnp
from jax import lax
from jax.experimental import pallas as pl
from jax.experimental.pallas import tpu as pltpu
from jax.experimental.pallas import tpu_sc as plsc

_NC = 2
_NS = 16
_NW = _NC * _NS
_CH = 125


def _sc_gather(table, idx3):
    nw, nch, ch = idx3.shape
    ring, ahead = 7, 4
    full_blocks = nch // ring
    rem = nch % ring
    assert full_blocks >= 3 and 0 < rem < ahead
    rows_total = nw * nch * ch
    nb, n, d = table.shape
    per_w = nch * ch
    w_per_b = nw // nb
    assert w_per_b * nb == nw and per_w * w_per_b == n
    mesh = plsc.VectorSubcoreMesh(core_axis_name="c", subcore_axis_name="s")

    @functools.partial(
        pl.kernel,
        mesh=mesh,
        out_type=jax.ShapeDtypeStruct((rows_total, d), jnp.float32),
        scratch_types=[
            pltpu.VMEM((nch, ch), jnp.int32),
            [pltpu.VMEM((ch, d), jnp.float32) for _ in range(ring)],
            [pltpu.SemaphoreType.DMA for _ in range(ring)],
            [pltpu.SemaphoreType.DMA for _ in range(ring)],
        ],
        compiler_params=pltpu.CompilerParams(use_tc_tiling_on_sc=False),
    )
    def gather_kernel(table_hbm, idx_hbm, out_hbm, idx_v, rows, gsem, ssem):
        wid = lax.axis_index("s") * _NC + lax.axis_index("c")
        pltpu.sync_copy(idx_hbm.at[wid], idx_v)
        base = wid * per_w
        batch = wid // w_per_b

        def fire_gather(j, b):
            pltpu.async_copy(
                table_hbm.at[batch].at[idx_v.at[j]], rows[b], gsem[b])

        def wait_gather(b):
            pltpu.make_async_copy(
                table_hbm.at[0].at[pl.ds(0, ch)], rows[b], gsem[b]).wait()

        def fire_store(j, b):
            pltpu.async_copy(
                rows[b], out_hbm.at[pl.ds(base + j * ch, ch)], ssem[b])

        def wait_store(b):
            pltpu.make_async_copy(
                rows[b], out_hbm.at[pl.ds(0, ch)], ssem[b]).wait()

        for f in range(ahead):
            fire_gather(f, f)

        for b in range(ring):
            wait_gather(b)
            fire_store(b, b)
            t = (b + ahead) % ring
            if b + ahead >= ring:
                wait_store(t)
            fire_gather(b + ahead, t)

        def step(k, carry):
            for b in range(ring):
                j = ring * k + b
                wait_gather(b)
                fire_store(j, b)
                t = (b + ahead) % ring
                wait_store(t)
                fire_gather(j + ahead, t)
            return carry

        lax.fori_loop(1, full_blocks - 1, step, 0)

        for b in range(ring):
            j = ring * (full_blocks - 1) + b
            wait_gather(b)
            fire_store(j, b)
            if j + ahead < nch:
                t = (b + ahead) % ring
                wait_store(t)
                fire_gather(j + ahead, t)

        for r in range(rem):
            j = ring * full_blocks + r
            wait_gather(j % ring)
            fire_store(j, j % ring)
        for j in range(nch - ring, nch):
            wait_store(j % ring)

    return gather_kernel(table, idx3)


def kernel(vertices, reverse_map):
    b, n, d = vertices.shape
    nch = (b * n) // (_NW * _CH)
    idx3 = reverse_map.astype(jnp.int32).reshape(_NW, nch, _CH)
    out = _sc_gather(vertices, idx3)
    return out.reshape(b, n, d)

# --- scband reference (transcript-rebuilt; emitter-appended) ---
"""Pipeline reference for scband-inverse-graph-propagation-36842229465245 (READ-ONLY COPY).

The authoritative reference and input builder live on the scoring server;
editing this copy changes nothing except your own understanding.
"""

import jax, jax.numpy as jnp
import numpy as np


def setup_inputs(seed: int = 0) -> dict:
    key = jax.random.key(seed)
    k1, k2 = jax.random.split(key)
    vertices = jax.random.normal(k1, (4, 50000, 128), dtype=jnp.float32)
    reverse_map = jax.random.randint(k2, (4, 50000), 0, 50000, dtype=jnp.int64 if jax.config.read('jax_enable_x64') else jnp.int32)
    return {"vertices": vertices, "reverse_map": reverse_map}


def reference(vertices, reverse_map):
    # Faithful translation of InverseGraphPropagation.call:
    # for each batch item b: out[b] = tf.gather(vertices[b], reverse_map[b])
    # i.e. a per-batch row gather along axis 0 of each [N, d] slice.
    out = jnp.take_along_axis(vertices, reverse_map[:, :, None], axis=1)
    return out

if __name__ == "__main__":
    import jax
    _d = setup_inputs()
    print(jax.jit(kernel)(*tuple(_d.values())))

</pallas_src>

<mosaic_0001>
#map = affine_map<(d0, d1) -> (0, 0, 0)>
#map1 = affine_map<(d0, d1) -> (0, 0)>
module attributes {stable_mosaic.version = 14 : i64} {
  func.func @gather_kernel(%arg0: i32, %arg1: i32, %arg2: memref<4x50000x128xf32, #tpu.memory_space<hbm>>, %arg3: memref<32x50x125xi32, #tpu.memory_space<hbm>>, %arg4: memref<200000x128xf32, #tpu.memory_space<hbm>>, %arg5: memref<50x125xi32, #tpu.memory_space<vmem>>, %arg6: memref<125x128xf32, #tpu.memory_space<vmem>>, %arg7: memref<125x128xf32, #tpu.memory_space<vmem>>, %arg8: memref<125x128xf32, #tpu.memory_space<vmem>>, %arg9: memref<125x128xf32, #tpu.memory_space<vmem>>, %arg10: memref<125x128xf32, #tpu.memory_space<vmem>>, %arg11: memref<125x128xf32, #tpu.memory_space<vmem>>, %arg12: memref<125x128xf32, #tpu.memory_space<vmem>>, %arg13: memref<!tpu.dma_semaphore, #tpu.memory_space<semaphore_mem>>, %arg14: memref<!tpu.dma_semaphore, #tpu.memory_space<semaphore_mem>>, %arg15: memref<!tpu.dma_semaphore, #tpu.memory_space<semaphore_mem>>, %arg16: memref<!tpu.dma_semaphore, #tpu.memory_space<semaphore_mem>>, %arg17: memref<!tpu.dma_semaphore, #tpu.memory_space<semaphore_mem>>, %arg18: memref<!tpu.dma_semaphore, #tpu.memory_space<semaphore_mem>>, %arg19: memref<!tpu.dma_semaphore, #tpu.memory_space<semaphore_mem>>, %arg20: memref<!tpu.dma_semaphore, #tpu.memory_space<semaphore_mem>>, %arg21: memref<!tpu.dma_semaphore, #tpu.memory_space<semaphore_mem>>, %arg22: memref<!tpu.dma_semaphore, #tpu.memory_space<semaphore_mem>>, %arg23: memref<!tpu.dma_semaphore, #tpu.memory_space<semaphore_mem>>, %arg24: memref<!tpu.dma_semaphore, #tpu.memory_space<semaphore_mem>>, %arg25: memref<!tpu.dma_semaphore, #tpu.memory_space<semaphore_mem>>, %arg26: memref<!tpu.dma_semaphore, #tpu.memory_space<semaphore_mem>>) attributes {dimension_semantics = [#tpu.dimension_semantics<core_parallel>, #tpu.dimension_semantics<subcore_parallel>], iteration_bounds = array<i64: 2, 16>, scalar_prefetch = 0 : i64, scratch_operands = 22 : i64, tpu.core_type = #tpu.core_type<sc_vector_subcore>, window_params = [{transform_indices = #map}, {transform_indices = #map}, {transform_indices = #map1}]} {
    %mul3A = arith.constant 2 : i32
    %mul3A_0 = arith.muli %arg1, %mul3A : i32
    %add3A = arith.addi %mul3A_0, %arg0 : i32
    "tpu.region"() ({
      %run_scoped3A = tpu.sem_alloc : memref<!tpu.dma_semaphore, #tpu.memory_space<semaphore_mem>>
      %dma_start3A_592 = arith.constant 0 : i32
      %dma_start3A_593 = arith.constant 0 : i32
      %dma_start3A_594 = tpu.memref_slice %arg3[%add3A, %dma_start3A_592, %dma_start3A_593] : memref<32x50x125xi32, #tpu.memory_space<hbm>> -> memref<1x50x125xi32, #tpu.memory_space<hbm>>
      %dma_start3A_595 = tpu.memref_squeeze %dma_start3A_594 : memref<1x50x125xi32, #tpu.memory_space<hbm>> -> memref<50x125xi32, #tpu.memory_space<hbm>>
      %dma_start3A_596 = arith.constant 0 : i32
      %dma_start3A_597 = arith.constant 0 : i32
      %dma_start3A_598 = tpu.memref_slice %arg3[%add3A, %dma_start3A_596, %dma_start3A_597] : memref<32x50x125xi32, #tpu.memory_space<hbm>> -> memref<1x50x125xi32, #tpu.memory_space<hbm>>
      %dma_start3A_599 = tpu.memref_squeeze %dma_start3A_598 : memref<1x50x125xi32, #tpu.memory_space<hbm>> -> memref<50x125xi32, #tpu.memory_space<hbm>>
      tpu.enqueue_dma source(%dma_start3A_599 : memref<50x125xi32, #tpu.memory_space<hbm>>) target(%arg5 : memref<50x125xi32, #tpu.memory_space<vmem>>) target_semaphore(%run_scoped3A : memref<!tpu.dma_semaphore, #tpu.memory_space<semaphore_mem>>)
      %dma_wait3A_600 = arith.constant 0 : i32
      %dma_wait3A_601 = arith.constant 0 : i32
      %dma_wait3A_602 = tpu.memref_slice %arg3[%add3A, %dma_wait3A_600, %dma_wait3A_601] : memref<32x50x125xi32, #tpu.memory_space<hbm>> -> memref<1x50x125xi32, #tpu.memory_space<hbm>>
      %dma_wait3A_603 = tpu.memref_squeeze %dma_wait3A_602 : memref<1x50x125xi32, #tpu.memory_space<hbm>> -> memref<50x125xi32, #tpu.memory_space<hbm>>
      %dma_wait3A_604 = arith.constant 0 : i32
      %dma_wait3A_605 = arith.constant 0 : i32
      %dma_wait3A_606 = tpu.memref_slice %arg3[%add3A, %dma_wait3A_604, %dma_wait3A_605] : memref<32x50x125xi32, #tpu.memory_space<hbm>> -> memref<1x50x125xi32, #tpu.memory_space<hbm>>
      %dma_wait3A_607 = tpu.memref_squeeze %dma_wait3A_606 : memref<1x50x125xi32, #tpu.memory_space<hbm>> -> memref<50x125xi32, #tpu.memory_space<hbm>>
      tpu.wait_dma2 semaphore(%run_scoped3A : memref<!tpu.dma_semaphore, #tpu.memory_space<semaphore_mem>>) src(%dma_wait3A_607 : memref<50x125xi32, #tpu.memory_space<hbm>>) dst(%arg5 : memref<50x125xi32, #tpu.memory_space<vmem>>)
      tpu.yield
    }) : () -> ()
    %mul3A_1 = arith.constant 6250 : i32
    %mul3A_2 = arith.muli %add3A, %mul3A_1 : i32
    %jit3A = arith.constant 8 : i32
    %div3A = arith.divsi %add3A, %jit3A : i32
    %sign3A = arith.constant 0 : i32
    %sign3A_3 = arith.cmpi sgt, %add3A, %sign3A : i32
    %sign3A_4 = arith.extui %sign3A_3 : i1 to i32
    %sign3A_5 = arith.constant 0 : i32
    %sign3A_6 = arith.cmpi slt, %add3A, %sign3A_5 : i32
    %sign3A_7 = arith.extui %sign3A_6 : i1 to i32
    %sign3A_8 = arith.subi %sign3A_4, %sign3A_7 : i32
    %sign3A_9 = arith.constant 0 : i32
    %sign3A_10 = arith.cmpi sgt, %jit3A, %sign3A_9 : i32
    %sign3A_11 = arith.extui %sign3A_10 : i1 to i32
    %sign3A_12 = arith.constant 0 : i32
    %sign3A_13 = arith.cmpi slt, %jit3A, %sign3A_12 : i32
    %sign3A_14 = arith.extui %sign3A_13 : i1 to i32
    %sign3A_15 = arith.subi %sign3A_11, %sign3A_14 : i32
    %ne3A = arith.cmpi ne, %sign3A_8, %sign3A_15 : i32
    %rem3A = arith.remsi %add3A, %jit3A : i32
    %ne3A_16 = arith.constant 0 : i32
    %ne3A_17 = arith.cmpi ne, %rem3A, %ne3A_16 : i32
    %and3A = arith.andi %ne3A, %ne3A_17 : i1
    %sub3A = arith.constant 1 : i32
    %sub3A_18 = arith.subi %div3A, %sub3A : i32
    %select_n3A = arith.select %and3A, %sub3A_18, %div3A : i32
    %dma_start3A = arith.constant 0 : i32
    %dma_start3A_19 = arith.constant 0 : i32
    %dma_start3A_20 = tpu.memref_slice %arg5[%dma_start3A, %dma_start3A_19] : memref<50x125xi32, #tpu.memory_space<vmem>> -> memref<1x125xi32, #tpu.memory_space<vmem>>
    %dma_start3A_21 = tpu.memref_squeeze %dma_start3A_20 : memref<1x125xi32, #tpu.memory_space<vmem>> -> memref<125xi32, #tpu.memory_space<vmem>>
    %dma_start3A_22 = arith.constant 0 : i32
    %dma_start3A_23 = arith.constant 0 : i32
    %dma_start3A_24 = tpu.memref_slice %arg2[%select_n3A, %dma_start3A_22, %dma_start3A_23] : memref<4x50000x128xf32, #tpu.memory_space<hbm>> -> memref<1x50000x128xf32, #tpu.memory_space<hbm>>
    %dma_start3A_25 = tpu.memref_squeeze %dma_start3A_24 : memref<1x50000x128xf32, #tpu.memory_space<hbm>> -> memref<50000x128xf32, #tpu.memory_space<hbm>>
    %dma_start3A_26 = arith.constant 0 : i32
    %dma_start3A_27 = arith.constant 0 : i32
    %dma_start3A_28 = tpu.memref_slice %dma_start3A_25[%dma_start3A_26, %dma_start3A_27] : memref<50000x128xf32, #tpu.memory_space<hbm>> -> memref<50000x128xf32, #tpu.memory_space<hbm>>
    tpu.enqueue_indirect_dma source(%dma_start3A_28 : memref<50000x128xf32, #tpu.memory_space<hbm>>) target(%arg6 : memref<125x128xf32, #tpu.memory_space<vmem>>) offsets(%dma_start3A_21 : memref<125xi32, #tpu.memory_space<vmem>>) semaphore(%arg13 : memref<!tpu.dma_semaphore, #tpu.memory_space<semaphore_mem>>)
    %dma_start3A_29 = arith.constant 1 : i32
    %dma_start3A_30 = arith.constant 0 : i32
    %dma_start3A_31 = tpu.memref_slice %arg5[%dma_start3A_29, %dma_start3A_30] : memref<50x125xi32, #tpu.memory_space<vmem>> -> memref<1x125xi32, #tpu.memory_space<vmem>>
    %dma_start3A_32 = tpu.memref_squeeze %dma_start3A_31 : memref<1x125xi32, #tpu.memory_space<vmem>> -> memref<125xi32, #tpu.memory_space<vmem>>
    %dma_start3A_33 = arith.constant 0 : i32
    %dma_start3A_34 = arith.constant 0 : i32
    %dma_start3A_35 = tpu.memref_slice %arg2[%select_n3A, %dma_start3A_33, %dma_start3A_34] : memref<4x50000x128xf32, #tpu.memory_space<hbm>> -> memref<1x50000x128xf32, #tpu.memory_space<hbm>>
    %dma_start3A_36 = tpu.memref_squeeze %dma_start3A_35 : memref<1x50000x128xf32, #tpu.memory_space<hbm>> -> memref<50000x128xf32, #tpu.memory_space<hbm>>
    %dma_start3A_37 = arith.constant 0 : i32
    %dma_start3A_38 = arith.constant 0 : i32
    %dma_start3A_39 = tpu.memref_slice %dma_start3A_36[%dma_start3A_37, %dma_start3A_38] : memref<50000x128xf32, #tpu.memory_space<hbm>> -> memref<50000x128xf32, #tpu.memory_space<hbm>>
    tpu.enqueue_indirect_dma source(%dma_start3A_39 : memref<50000x128xf32, #tpu.memory_space<hbm>>) target(%arg7 : memref<125x128xf32, #tpu.memory_space<vmem>>) offsets(%dma_start3A_32 : memref<125xi32, #tpu.memory_space<vmem>>) semaphore(%arg14 : memref<!tpu.dma_semaphore, #tpu.memory_space<semaphore_mem>>)
    %dma_start3A_40 = arith.constant 2 : i32
    %dma_start3A_41 = arith.constant 0 : i32
    %dma_start3A_42 = tpu.memref_slice %arg5[%dma_start3A_40, %dma_start3A_41] : memref<50x125xi32, #tpu.memory_space<vmem>> -> memref<1x125xi32, #tpu.memory_space<vmem>>
    %dma_start3A_43 = tpu.memref_squeeze %dma_start3A_42 : memref<1x125xi32, #tpu.memory_space<vmem>> -> memref<125xi32, #tpu.memory_space<vmem>>
    %dma_start3A_44 = arith.constant 0 : i32
    %dma_start3A_45 = arith.constant 0 : i32
    %dma_start3A_46 = tpu.memref_slice %arg2[%select_n3A, %dma_start3A_44, %dma_start3A_45] : memref<4x50000x128xf32, #tpu.memory_space<hbm>> -> memref<1x50000x128xf32, #tpu.memory_space<hbm>>
    %dma_start3A_47 = tpu.memref_squeeze %dma_start3A_46 : memref<1x50000x128xf32, #tpu.memory_space<hbm>> -> memref<50000x128xf32, #tpu.memory_space<hbm>>
    %dma_start3A_48 = arith.constant 0 : i32
    %dma_start3A_49 = arith.constant 0 : i32
    %dma_start3A_50 = tpu.memref_slice %dma_start3A_47[%dma_start3A_48, %dma_start3A_49] : memref<50000x128xf32, #tpu.memory_space<hbm>> -> memref<50000x128xf32, #tpu.memory_space<hbm>>
    tpu.enqueue_indirect_dma source(%dma_start3A_50 : memref<50000x128xf32, #tpu.memory_space<hbm>>) target(%arg8 : memref<125x128xf32, #tpu.memory_space<vmem>>) offsets(%dma_start3A_43 : memref<125xi32, #tpu.memory_space<vmem>>) semaphore(%arg15 : memref<!tpu.dma_semaphore, #tpu.memory_space<semaphore_mem>>)
    %dma_start3A_51 = arith.constant 3 : i32
    %dma_start3A_52 = arith.constant 0 : i32
    %dma_start3A_53 = tpu.memref_slice %arg5[%dma_start3A_51, %dma_start3A_52] : memref<50x125xi32, #tpu.memory_space<vmem>> -> memref<1x125xi32, #tpu.memory_space<vmem>>
    %dma_start3A_54 = tpu.memref_squeeze %dma_start3A_53 : memref<1x125xi32, #tpu.memory_space<vmem>> -> memref<125xi32, #tpu.memory_space<vmem>>
    %dma_start3A_55 = arith.constant 0 : i32
    %dma_start3A_56 = arith.constant 0 : i32
    %dma_start3A_57 = tpu.memref_slice %arg2[%select_n3A, %dma_start3A_55, %dma_start3A_56] : memref<4x50000x128xf32, #tpu.memory_space<hbm>> -> memref<1x50000x128xf32, #tpu.memory_space<hbm>>
    %dma_start3A_58 = tpu.memref_squeeze %dma_start3A_57 : memref<1x50000x128xf32, #tpu.memory_space<hbm>> -> memref<50000x128xf32, #tpu.memory_space<hbm>>
    %dma_start3A_59 = arith.constant 0 : i32
    %dma_start3A_60 = arith.constant 0 : i32
    %dma_start3A_61 = tpu.memref_slice %dma_start3A_58[%dma_start3A_59, %dma_start3A_60] : memref<50000x128xf32, #tpu.memory_space<hbm>> -> memref<50000x128xf32, #tpu.memory_space<hbm>>
    tpu.enqueue_indirect_dma source(%dma_start3A_61 : memref<50000x128xf32, #tpu.memory_space<hbm>>) target(%arg9 : memref<125x128xf32, #tpu.memory_space<vmem>>) offsets(%dma_start3A_54 : memref<125xi32, #tpu.memory_space<vmem>>) semaphore(%arg16 : memref<!tpu.dma_semaphore, #tpu.memory_space<semaphore_mem>>)
    %dma_wait3A = arith.constant 0 : i32
    %dma_wait3A_62 = arith.constant 0 : i32
    %dma_wait3A_63 = arith.constant 0 : i32
    %dma_wait3A_64 = tpu.memref_slice %arg2[%dma_wait3A, %dma_wait3A_62, %dma_wait3A_63] : memref<4x50000x128xf32, #tpu.memory_space<hbm>> -> memref<1x50000x128xf32, #tpu.memory_space<hbm>>
    %dma_wait3A_65 = tpu.memref_squeeze %dma_wait3A_64 : memref<1x50000x128xf32, #tpu.memory_space<hbm>> -> memref<50000x128xf32, #tpu.memory_space<hbm>>
    %dma_wait3A_66 = arith.constant 0 : i32
    %dma_wait3A_67 = arith.constant 0 : i32
    %dma_wait3A_68 = tpu.memref_slice %dma_wait3A_65[%dma_wait3A_66, %dma_wait3A_67] : memref<50000x128xf32, #tpu.memory_space<hbm>> -> memref<125x128xf32, #tpu.memory_space<hbm>>
    %dma_wait3A_69 = arith.constant 0 : i32
    %dma_wait3A_70 = arith.constant 0 : i32
    %dma_wait3A_71 = tpu.memref_slice %arg2[%dma_wait3A, %dma_wait3A_69, %dma_wait3A_70] : memref<4x50000x128xf32, #tpu.memory_space<hbm>> -> memref<1x50000x128xf32, #tpu.memory_space<hbm>>
    %dma_wait3A_72 = tpu.memref_squeeze %dma_wait3A_71 : memref<1x50000x128xf32, #tpu.memory_space<hbm>> -> memref<50000x128xf32, #tpu.memory_space<hbm>>
    %dma_wait3A_73 = arith.constant 0 : i32
    %dma_wait3A_74 = arith.constant 0 : i32
    %dma_wait3A_75 = tpu.memref_slice %dma_wait3A_72[%dma_wait3A_73, %dma_wait3A_74] : memref<50000x128xf32, #tpu.memory_space<hbm>> -> memref<125x128xf32, #tpu.memory_space<hbm>>
    tpu.wait_dma2 semaphore(%arg13 : memref<!tpu.dma_semaphore, #tpu.memory_space<semaphore_mem>>) src(%dma_wait3A_75 : memref<125x128xf32, #tpu.memory_space<hbm>>) dst(%arg6 : memref<125x128xf32, #tpu.memory_space<vmem>>)
    %add3A_76 = arith.constant 0 : i32
    %add3A_77 = arith.addi %mul3A_2, %add3A_76 : i32
    %dma_start3A_78 = arith.constant 0 : i32
    %dma_start3A_79 = tpu.memref_slice %arg4[%add3A_77, %dma_start3A_78] : memref<200000x128xf32, #tpu.memory_space<hbm>> -> memref<125x128xf32, #tpu.memory_space<hbm>>
    %dma_start3A_80 = arith.constant 0 : i32
    %dma_start3A_81 = tpu.memref_slice %arg4[%add3A_77, %dma_start3A_80] : memref<200000x128xf32, #tpu.memory_space<hbm>> -> memref<125x128xf32, #tpu.memory_space<hbm>>
    tpu.enqueue_dma source(%arg6 : memref<125x128xf32, #tpu.memory_space<vmem>>) target(%dma_start3A_81 : memref<125x128xf32, #tpu.memory_space<hbm>>) target_semaphore(%arg20 : memref<!tpu.dma_semaphore, #tpu.memory_space<semaphore_mem>>)
    %dma_start3A_82 = arith.constant 4 : i32
    %dma_start3A_83 = arith.constant 0 : i32
    %dma_start3A_84 = tpu.memref_slice %arg5[%dma_start3A_82, %dma_start3A_83] : memref<50x125xi32, #tpu.memory_space<vmem>> -> memref<1x125xi32, #tpu.memory_space<vmem>>
    %dma_start3A_85 = tpu.memref_squeeze %dma_start3A_84 : memref<1x125xi32, #tpu.memory_space<vmem>> -> memref<125xi32, #tpu.memory_space<vmem>>
    %dma_start3A_86 = arith.constant 0 : i32
    %dma_start3A_87 = arith.constant 0 : i32
    %dma_start3A_88 = tpu.memref_slice %arg2[%select_n3A, %dma_start3A_86, %dma_start3A_87] : memref<4x50000x128xf32, #tpu.memory_space<hbm>> -> memref<1x50000x128xf32, #tpu.memory_space<hbm>>
    %dma_start3A_89 = tpu.memref_squeeze %dma_start3A_88 : memref<1x50000x128xf32, #tpu.memory_space<hbm>> -> memref<50000x128xf32, #tpu.memory_space<hbm>>
    %dma_start3A_90 = arith.constant 0 : i32
    %dma_start3A_91 = arith.constant 0 : i32
    %dma_start3A_92 = tpu.memref_slice %dma_start3A_89[%dma_start3A_90, %dma_start3A_91] : memref<50000x128xf32, #tpu.memory_space<hbm>> -> memref<50000x128xf32, #tpu.memory_space<hbm>>
    tpu.enqueue_indirect_dma source(%dma_start3A_92 : memref<50000x128xf32, #tpu.memory_space<hbm>>) target(%arg10 : memref<125x128xf32, #tpu.memory_space<vmem>>) offsets(%dma_start3A_85 : memref<125xi32, #tpu.memory_space<vmem>>) semaphore(%arg17 : memref<!tpu.dma_semaphore, #tpu.memory_space<semaphore_mem>>)
    %dma_wait3A_93 = arith.constant 0 : i32
    %dma_wait3A_94 = arith.constant 0 : i32
    %dma_wait3A_95 = arith.constant 0 : i32
    %dma_wait3A_96 = tpu.memref_slice %arg2[%dma_wait3A_93, %dma_wait3A_94, %dma_wait3A_95] : memref<4x50000x128xf32, #tpu.memory_space<hbm>> -> memref<1x50000x128xf32, #tpu.memory_space<hbm>>
    %dma_wait3A_97 = tpu.memref_squeeze %dma_wait3A_96 : memref<1x50000x128xf32, #tpu.memory_space<hbm>> -> memref<50000x128xf32, #tpu.memory_space<hbm>>
    %dma_wait3A_98 = arith.constant 0 : i32
    %dma_wait3A_99 = arith.constant 0 : i32
    %dma_wait3A_100 = tpu.memref_slice %dma_wait3A_97[%dma_wait3A_98, %dma_wait3A_99] : memref<50000x128xf32, #tpu.memory_space<hbm>> -> memref<125x128xf32, #tpu.memory_space<hbm>>
    %dma_wait3A_101 = arith.constant 0 : i32
    %dma_wait3A_102 = arith.constant 0 : i32
    %dma_wait3A_103 = tpu.memref_slice %arg2[%dma_wait3A_93, %dma_wait3A_101, %dma_wait3A_102] : memref<4x50000x128xf32, #tpu.memory_space<hbm>> -> memref<1x50000x128xf32, #tpu.memory_space<hbm>>
    %dma_wait3A_104 = tpu.memref_squeeze %dma_wait3A_103 : memref<1x50000x128xf32, #tpu.memory_space<hbm>> -> memref<50000x128xf32, #tpu.memory_space<hbm>>
    %dma_wait3A_105 = arith.constant 0 : i32
    %dma_wait3A_106 = arith.constant 0 : i32
    %dma_wait3A_107 = tpu.memref_slice %dma_wait3A_104[%dma_wait3A_105, %dma_wait3A_106] : memref<50000x128xf32, #tpu.memory_space<hbm>> -> memref<125x128xf32, #tpu.memory_space<hbm>>
    tpu.wait_dma2 semaphore(%arg14 : memref<!tpu.dma_semaphore, #tpu.memory_space<semaphore_mem>>) src(%dma_wait3A_107 : memref<125x128xf32, #tpu.memory_space<hbm>>) dst(%arg7 : memref<125x128xf32, #tpu.memory_space<vmem>>)
    %add3A_108 = arith.constant 125 : i32
    %add3A_109 = arith.addi %mul3A_2, %add3A_108 : i32
    %dma_start3A_110 = arith.constant 0 : i32
    %dma_start3A_111 = tpu.memref_slice %arg4[%add3A_109, %dma_start3A_110] : memref<200000x128xf32, #tpu.memory_space<hbm>> -> memref<125x128xf32, #tpu.memory_space<hbm>>
    %dma_start3A_112 = arith.constant 0 : i32
    %dma_start3A_113 = tpu.memref_slice %arg4[%add3A_109, %dma_start3A_112] : memref<200000x128xf32, #tpu.memory_space<hbm>> -> memref<125x128xf32, #tpu.memory_space<hbm>>
    tpu.enqueue_dma source(%arg7 : memref<125x128xf32, #tpu.memory_space<vmem>>) target(%dma_start3A_113 : memref<125x128xf32, #tpu.memory_space<hbm>>) target_semaphore(%arg21 : memref<!tpu.dma_semaphore, #tpu.memory_space<semaphore_mem>>)
    %dma_start3A_114 = arith.constant 5 : i32
    %dma_start3A_115 = arith.constant 0 : i32
    %dma_start3A_116 = tpu.memref_slice %arg5[%dma_start3A_114, %dma_start3A_115] : memref<50x125xi32, #tpu.memory_space<vmem>> -> memref<1x125xi32, #tpu.memory_space<vmem>>
    %dma_start3A_117 = tpu.memref_squeeze %dma_start3A_116 : memref<1x125xi32, #tpu.memory_space<vmem>> -> memref<125xi32, #tpu.memory_space<vmem>>
    %dma_start3A_118 = arith.constant 0 : i32
    %dma_start3A_119 = arith.constant 0 : i32
    %dma_start3A_120 = tpu.memref_slice %arg2[%select_n3A, %dma_start3A_118, %dma_start3A_119] : memref<4x50000x128xf32, #tpu.memory_space<hbm>> -> memref<1x50000x128xf32, #tpu.memory_space<hbm>>
    %dma_start3A_121 = tpu.memref_squeeze %dma_start3A_120 : memref<1x50000x128xf32, #tpu.memory_space<hbm>> -> memref<50000x128xf32, #tpu.memory_space<hbm>>
    %dma_start3A_122 = arith.constant 0 : i32
    %dma_start3A_123 = arith.constant 0 : i32
    %dma_start3A_124 = tpu.memref_slice %dma_start3A_121[%dma_start3A_122, %dma_start3A_123] : memref<50000x128xf32, #tpu.memory_space<hbm>> -> memref<50000x128xf32, #tpu.memory_space<hbm>>
    tpu.enqueue_indirect_dma source(%dma_start3A_124 : memref<50000x128xf32, #tpu.memory_space<hbm>>) target(%arg11 : memref<125x128xf32, #tpu.memory_space<vmem>>) offsets(%dma_start3A_117 : memref<125xi32, #tpu.memory_space<vmem>>) semaphore(%arg18 : memref<!tpu.dma_semaphore, #tpu.memory_space<semaphore_mem>>)
    %dma_wait3A_125 = arith.constant 0 : i32
    %dma_wait3A_126 = arith.constant 0 : i32
    %dma_wait3A_127 = arith.constant 0 : i32
    %dma_wait3A_128 = tpu.memref_slice %arg2[%dma_wait3A_125, %dma_wait3A_126, %dma_wait3A_127] : memref<4x50000x128xf32, #tpu.memory_space<hbm>> -> memref<1x50000x128xf32, #tpu.memory_space<hbm>>
    %dma_wait3A_129 = tpu.memref_squeeze %dma_wait3A_128 : memref<1x50000x128xf32, #tpu.memory_space<hbm>> -> memref<50000x128xf32, #tpu.memory_space<hbm>>
    %dma_wait3A_130 = arith.constant 0 : i32
    %dma_wait3A_131 = arith.constant 0 : i32
    %dma_wait3A_132 = tpu.memref_slice %dma_wait3A_129[%dma_wait3A_130, %dma_wait3A_131] : memref<50000x128xf32, #tpu.memory_space<hbm>> -> memref<125x128xf32, #tpu.memory_space<hbm>>
    %dma_wait3A_133 = arith.constant 0 : i32
    %dma_wait3A_134 = arith.constant 0 : i32
    %dma_wait3A_135 = tpu.memref_slice %arg2[%dma_wait3A_125, %dma_wait3A_133, %dma_wait3A_134] : memref<4x50000x128xf32, #tpu.memory_space<hbm>> -> memref<1x50000x128xf32, #tpu.memory_space<hbm>>
    %dma_wait3A_136 = tpu.memref_squeeze %dma_wait3A_135 : memref<1x50000x128xf32, #tpu.memory_space<hbm>> -> memref<50000x128xf32, #tpu.memory_space<hbm>>
    %dma_wait3A_137 = arith.constant 0 : i32
    %dma_wait3A_138 = arith.constant 0 : i32
    %dma_wait3A_139 = tpu.memref_slice %dma_wait3A_136[%dma_wait3A_137, %dma_wait3A_138] : memref<50000x128xf32, #tpu.memory_space<hbm>> -> memref<125x128xf32, #tpu.memory_space<hbm>>
    tpu.wait_dma2 semaphore(%arg15 : memref<!tpu.dma_semaphore, #tpu.memory_space<semaphore_mem>>) src(%dma_wait3A_139 : memref<125x128xf32, #tpu.memory_space<hbm>>) dst(%arg8 : memref<125x128xf32, #tpu.memory_space<vmem>>)
    %add3A_140 = arith.constant 250 : i32
    %add3A_141 = arith.addi %mul3A_2, %add3A_140 : i32
    %dma_start3A_142 = arith.constant 0 : i32
    %dma_start3A_143 = tpu.memref_slice %arg4[%add3A_141, %dma_start3A_142] : memref<200000x128xf32, #tpu.memory_space<hbm>> -> memref<125x128xf32, #tpu.memory_space<hbm>>
    %dma_start3A_144 = arith.constant 0 : i32
    %dma_start3A_145 = tpu.memref_slice %arg4[%add3A_141, %dma_start3A_144] : memref<200000x128xf32, #tpu.memory_space<hbm>> -> memref<125x128xf32, #tpu.memory_space<hbm>>
    tpu.enqueue_dma source(%arg8 : memref<125x128xf32, #tpu.memory_space<vmem>>) target(%dma_start3A_145 : memref<125x128xf32, #tpu.memory_space<hbm>>) target_semaphore(%arg22 : memref<!tpu.dma_semaphore, #tpu.memory_space<semaphore_mem>>)
    %dma_start3A_146 = arith.constant 6 : i32
    %dma_start3A_147 = arith.constant 0 : i32
    %dma_start3A_148 = tpu.memref_slice %arg5[%dma_start3A_146, %dma_start3A_147] : memref<50x125xi32, #tpu.memory_space<vmem>> -> memref<1x125xi32, #tpu.memory_space<vmem>>
    %dma_start3A_149 = tpu.memref_squeeze %dma_start3A_148 : memref<1x125xi32, #tpu.memory_space<vmem>> -> memref<125xi32, #tpu.memory_space<vmem>>
    %dma_start3A_150 = arith.constant 0 : i32
    %dma_start3A_151 = arith.constant 0 : i32
    %dma_start3A_152 = tpu.memref_slice %arg2[%select_n3A, %dma_start3A_150, %dma_start3A_151] : memref<4x50000x128xf32, #tpu.memory_space<hbm>> -> memref<1x50000x128xf32, #tpu.memory_space<hbm>>
    %dma_start3A_153 = tpu.memref_squeeze %dma_start3A_152 : memref<1x50000x128xf32, #tpu.memory_space<hbm>> -> memref<50000x128xf32, #tpu.memory_space<hbm>>
    %dma_start3A_154 = arith.constant 0 : i32
    %dma_start3A_155 = arith.constant 0 : i32
    %dma_start3A_156 = tpu.memref_slice %dma_start3A_153[%dma_start3A_154, %dma_start3A_155] : memref<50000x128xf32, #tpu.memory_space<hbm>> -> memref<50000x128xf32, #tpu.memory_space<hbm>>
    tpu.enqueue_indirect_dma source(%dma_start3A_156 : memref<50000x128xf32, #tpu.memory_space<hbm>>) target(%arg12 : memref<125x128xf32, #tpu.memory_space<vmem>>) offsets(%dma_start3A_149 : memref<125xi32, #tpu.memory_space<vmem>>) semaphore(%arg19 : memref<!tpu.dma_semaphore, #tpu.memory_space<semaphore_mem>>)
    %dma_wait3A_157 = arith.constant 0 : i32
    %dma_wait3A_158 = arith.constant 0 : i32
    %dma_wait3A_159 = arith.constant 0 : i32
    %dma_wait3A_160 = tpu.memref_slice %arg2[%dma_wait3A_157, %dma_wait3A_158, %dma_wait3A_159] : memref<4x50000x128xf32, #tpu.memory_space<hbm>> -> memref<1x50000x128xf32, #tpu.memory_space<hbm>>
    %dma_wait3A_161 = tpu.memref_squeeze %dma_wait3A_160 : memref<1x50000x128xf32, #tpu.memory_space<hbm>> -> memref<50000x128xf32, #tpu.memory_space<hbm>>
    %dma_wait3A_162 = arith.constant 0 : i32
    %dma_wait3A_163 = arith.constant 0 : i32
    %dma_wait3A_164 = tpu.memref_slice %dma_wait3A_161[%dma_wait3A_162, %dma_wait3A_163] : memref<50000x128xf32, #tpu.memory_space<hbm>> -> memref<125x128xf32, #tpu.memory_space<hbm>>
    %dma_wait3A_165 = arith.constant 0 : i32
    %dma_wait3A_166 = arith.constant 0 : i32
    %dma_wait3A_167 = tpu.memref_slice %arg2[%dma_wait3A_157, %dma_wait3A_165, %dma_wait3A_166] : memref<4x50000x128xf32, #tpu.memory_space<hbm>> -> memref<1x50000x128xf32, #tpu.memory_space<hbm>>
    %dma_wait3A_168 = tpu.memref_squeeze %dma_wait3A_167 : memref<1x50000x128xf32, #tpu.memory_space<hbm>> -> memref<50000x128xf32, #tpu.memory_space<hbm>>
    %dma_wait3A_169 = arith.constant 0 : i32
    %dma_wait3A_170 = arith.constant 0 : i32
    %dma_wait3A_171 = tpu.memref_slice %dma_wait3A_168[%dma_wait3A_169, %dma_wait3A_170] : memref<50000x128xf32, #tpu.memory_space<hbm>> -> memref<125x128xf32, #tpu.memory_space<hbm>>
    tpu.wait_dma2 semaphore(%arg16 : memref<!tpu.dma_semaphore, #tpu.memory_space<semaphore_mem>>) src(%dma_wait3A_171 : memref<125x128xf32, #tpu.memory_space<hbm>>) dst(%arg9 : memref<125x128xf32, #tpu.memory_space<vmem>>)
    %add3A_172 = arith.constant 375 : i32
    %add3A_173 = arith.addi %mul3A_2, %add3A_172 : i32
    %dma_start3A_174 = arith.constant 0 : i32
    %dma_start3A_175 = tpu.memref_slice %arg4[%add3A_173, %dma_start3A_174] : memref<200000x128xf32, #tpu.memory_space<hbm>> -> memref<125x128xf32, #tpu.memory_space<hbm>>
    %dma_start3A_176 = arith.constant 0 : i32
    %dma_start3A_177 = tpu.memref_slice %arg4[%add3A_173, %dma_start3A_176] : memref<200000x128xf32, #tpu.memory_space<hbm>> -> memref<125x128xf32, #tpu.memory_space<hbm>>
    tpu.enqueue_dma source(%arg9 : memref<125x128xf32, #tpu.memory_space<vmem>>) target(%dma_start3A_177 : memref<125x128xf32, #tpu.memory_space<hbm>>) target_semaphore(%arg23 : memref<!tpu.dma_semaphore, #tpu.memory_space<semaphore_mem>>)
    %dma_wait3A_178 = arith.constant 0 : i32
    %dma_wait3A_179 = arith.constant 0 : i32
    %dma_wait3A_180 = tpu.memref_slice %arg4[%dma_wait3A_178, %dma_wait3A_179] : memref<200000x128xf32, #tpu.memory_space<hbm>> -> memref<125x128xf32, #tpu.memory_space<hbm>>
    %dma_wait3A_181 = arith.constant 0 : i32
    %dma_wait3A_182 = arith.constant 0 : i32
    %dma_wait3A_183 = tpu.memref_slice %arg4[%dma_wait3A_181, %dma_wait3A_182] : memref<200000x128xf32, #tpu.memory_space<hbm>> -> memref<125x128xf32, #tpu.memory_space<hbm>>
    tpu.wait_dma2 semaphore(%arg20 : memref<!tpu.dma_semaphore, #tpu.memory_space<semaphore_mem>>) src(%arg6 : memref<125x128xf32, #tpu.memory_space<vmem>>) dst(%dma_wait3A_183 : memref<125x128xf32, #tpu.memory_space<hbm>>)
    %dma_start3A_184 = arith.constant 7 : i32
    %dma_start3A_185 = arith.constant 0 : i32
    %dma_start3A_186 = tpu.memref_slice %arg5[%dma_start3A_184, %dma_start3A_185] : memref<50x125xi32, #tpu.memory_space<vmem>> -> memref<1x125xi32, #tpu.memory_space<vmem>>
    %dma_start3A_187 = tpu.memref_squeeze %dma_start3A_186 : memref<1x125xi32, #tpu.memory_space<vmem>> -> memref<125xi32, #tpu.memory_space<vmem>>
    %dma_start3A_188 = arith.constant 0 : i32
    %dma_start3A_189 = arith.constant 0 : i32
    %dma_start3A_190 = tpu.memref_slice %arg2[%select_n3A, %dma_start3A_188, %dma_start3A_189] : memref<4x50000x128xf32, #tpu.memory_space<hbm>> -> memref<1x50000x128xf32, #tpu.memory_space<hbm>>
    %dma_start3A_191 = tpu.memref_squeeze %dma_start3A_190 : memref<1x50000x128xf32, #tpu.memory_space<hbm>> -> memref<50000x128xf32, #tpu.memory_space<hbm>>
    %dma_start3A_192 = arith.constant 0 : i32
    %dma_start3A_193 = arith.constant 0 : i32
    %dma_start3A_194 = tpu.memref_slice %dma_start3A_191[%dma_start3A_192, %dma_start3A_193] : memref<50000x128xf32, #tpu.memory_space<hbm>> -> memref<50000x128xf32, #tpu.memory_space<hbm>>
    tpu.enqueue_indirect_dma source(%dma_start3A_194 : memref<50000x128xf32, #tpu.memory_space<hbm>>) target(%arg6 : memref<125x128xf32, #tpu.memory_space<vmem>>) offsets(%dma_start3A_187 : memref<125xi32, #tpu.memory_space<vmem>>) semaphore(%arg13 : memref<!tpu.dma_semaphore, #tpu.memory_space<semaphore_mem>>)
    %dma_wait3A_195 = arith.constant 0 : i32
    %dma_wait3A_196 = arith.constant 0 : i32
    %dma_wait3A_197 = arith.constant 0 : i32
    %dma_wait3A_198 = tpu.memref_slice %arg2[%dma_wait3A_195, %dma_wait3A_196, %dma_wait3A_197] : memref<4x50000x128xf32, #tpu.memory_space<hbm>> -> memref<1x50000x128xf32, #tpu.memory_space<hbm>>
    %dma_wait3A_199 = tpu.memref_squeeze %dma_wait3A_198 : memref<1x50000x128xf32, #tpu.memory_space<hbm>> -> memref<50000x128xf32, #tpu.memory_space<hbm>>
    %dma_wait3A_200 = arith.constant 0 : i32
    %dma_wait3A_201 = arith.constant 0 : i32
    %dma_wait3A_202 = tpu.memref_slice %dma_wait3A_199[%dma_wait3A_200, %dma_wait3A_201] : memref<50000x128xf32, #tpu.memory_space<hbm>> -> memref<125x128xf32, #tpu.memory_space<hbm>>
    %dma_wait3A_203 = arith.constant 0 : i32
    %dma_wait3A_204 = arith.constant 0 : i32
    %dma_wait3A_205 = tpu.memref_slice %arg2[%dma_wait3A_195, %dma_wait3A_203, %dma_wait3A_204] : memref<4x50000x128xf32, #tpu.memory_space<hbm>> -> memref<1x50000x128xf32, #tpu.memory_space<hbm>>
    %dma_wait3A_206 = tpu.memref_squeeze %dma_wait3A_205 : memref<1x50000x128xf32, #tpu.memory_space<hbm>> -> memref<50000x128xf32, #tpu.memory_space<hbm>>
    %dma_wait3A_207 = arith.constant 0 : i32
    %dma_wait3A_208 = arith.constant 0 : i32
    %dma_wait3A_209 = tpu.memref_slice %dma_wait3A_206[%dma_wait3A_207, %dma_wait3A_208] : memref<50000x128xf32, #tpu.memory_space<hbm>> -> memref<125x128xf32, #tpu.memory_space<hbm>>
    tpu.wait_dma2 semaphore(%arg17 : memref<!tpu.dma_semaphore, #tpu.memory_space<semaphore_mem>>) src(%dma_wait3A_209 : memref<125x128xf32, #tpu.memory_space<hbm>>) dst(%arg10 : memref<125x128xf32, #tpu.memory_space<vmem>>)
    %add3A_210 = arith.constant 500 : i32
    %add3A_211 = arith.addi %mul3A_2, %add3A_210 : i32
    %dma_start3A_212 = arith.constant 0 : i32
    %dma_start3A_213 = tpu.memref_slice %arg4[%add3A_211, %dma_start3A_212] : memref<200000x128xf32, #tpu.memory_space<hbm>> -> memref<125x128xf32, #tpu.memory_space<hbm>>
    %dma_start3A_214 = arith.constant 0 : i32
    %dma_start3A_215 = tpu.memref_slice %arg4[%add3A_211, %dma_start3A_214] : memref<200000x128xf32, #tpu.memory_space<hbm>> -> memref<125x128xf32, #tpu.memory_space<hbm>>
    tpu.enqueue_dma source(%arg10 : memref<125x128xf32, #tpu.memory_space<vmem>>) target(%dma_start3A_215 : memref<125x128xf32, #tpu.memory_space<hbm>>) target_semaphore(%arg24 : memref<!tpu.dma_semaphore, #tpu.memory_space<semaphore_mem>>)
    %dma_wait3A_216 = arith.constant 0 : i32
    %dma_wait3A_217 = arith.constant 0 : i32
    %dma_wait3A_218 = tpu.memref_slice %arg4[%dma_wait3A_216, %dma_wait3A_217] : memref<200000x128xf32, #tpu.memory_space<hbm>> -> memref<125x128xf32, #tpu.memory_space<hbm>>
    %dma_wait3A_219 = arith.constant 0 : i32
    %dma_wait3A_220 = arith.constant 0 : i32
    %dma_wait3A_221 = tpu.memref_slice %arg4[%dma_wait3A_219, %dma_wait3A_220] : memref<200000x128xf32, #tpu.memory_space<hbm>> -> memref<125x128xf32, #tpu.memory_space<hbm>>
    tpu.wait_dma2 semaphore(%arg21 : memref<!tpu.dma_semaphore, #tpu.memory_space<semaphore_mem>>) src(%arg7 : memref<125x128xf32, #tpu.memory_space<vmem>>) dst(%dma_wait3A_221 : memref<125x128xf32, #tpu.memory_space<hbm>>)
    %dma_start3A_222 = arith.constant 8 : i32
    %dma_start3A_223 = arith.constant 0 : i32
    %dma_start3A_224 = tpu.memref_slice %arg5[%dma_start3A_222, %dma_start3A_223] : memref<50x125xi32, #tpu.memory_space<vmem>> -> memref<1x125xi32, #tpu.memory_space<vmem>>
    %dma_start3A_225 = tpu.memref_squeeze %dma_start3A_224 : memref<1x125xi32, #tpu.memory_space<vmem>> -> memref<125xi32, #tpu.memory_space<vmem>>
    %dma_start3A_226 = arith.constant 0 : i32
    %dma_start3A_227 = arith.constant 0 : i32
    %dma_start3A_228 = tpu.memref_slice %arg2[%select_n3A, %dma_start3A_226, %dma_start3A_227] : memref<4x50000x128xf32, #tpu.memory_space<hbm>> -> memref<1x50000x128xf32, #tpu.memory_space<hbm>>
    %dma_start3A_229 = tpu.memref_squeeze %dma_start3A_228 : memref<1x50000x128xf32, #tpu.memory_space<hbm>> -> memref<50000x128xf32, #tpu.memory_space<hbm>>
    %dma_start3A_230 = arith.constant 0 : i32
    %dma_start3A_231 = arith.constant 0 : i32
    %dma_start3A_232 = tpu.memref_slice %dma_start3A_229[%dma_start3A_230, %dma_start3A_231] : memref<50000x128xf32, #tpu.memory_space<hbm>> -> memref<50000x128xf32, #tpu.memory_space<hbm>>
    tpu.enqueue_indirect_dma source(%dma_start3A_232 : memref<50000x128xf32, #tpu.memory_space<hbm>>) target(%arg7 : memref<125x128xf32, #tpu.memory_space<vmem>>) offsets(%dma_start3A_225 : memref<125xi32, #tpu.memory_space<vmem>>) semaphore(%arg14 : memref<!tpu.dma_semaphore, #tpu.memory_space<semaphore_mem>>)
    %dma_wait3A_233 = arith.constant 0 : i32
    %dma_wait3A_234 = arith.constant 0 : i32
    %dma_wait3A_235 = arith.constant 0 : i32
    %dma_wait3A_236 = tpu.memref_slice %arg2[%dma_wait3A_233, %dma_wait3A_234, %dma_wait3A_235] : memref<4x50000x128xf32, #tpu.memory_space<hbm>> -> memref<1x50000x128xf32, #tpu.memory_space<hbm>>
    %dma_wait3A_237 = tpu.memref_squeeze %dma_wait3A_236 : memref<1x50000x128xf32, #tpu.memory_space<hbm>> -> memref<50000x128xf32, #tpu.memory_space<hbm>>
    %dma_wait3A_238 = arith.constant 0 : i32
    %dma_wait3A_239 = arith.constant 0 : i32
    %dma_wait3A_240 = tpu.memref_slice %dma_wait3A_237[%dma_wait3A_238, %dma_wait3A_239] : memref<50000x128xf32, #tpu.memory_space<hbm>> -> memref<125x128xf32, #tpu.memory_space<hbm>>
    %dma_wait3A_241 = arith.constant 0 : i32
    %dma_wait3A_242 = arith.constant 0 : i32
    %dma_wait3A_243 = tpu.memref_slice %arg2[%dma_wait3A_233, %dma_wait3A_241, %dma_wait3A_242] : memref<4x50000x128xf32, #tpu.memory_space<hbm>> -> memref<1x50000x128xf32, #tpu.memory_space<hbm>>
    %dma_wait3A_244 = tpu.memref_squeeze %dma_wait3A_243 : memref<1x50000x128xf32, #tpu.memory_space<hbm>> -> memref<50000x128xf32, #tpu.memory_space<hbm>>
    %dma_wait3A_245 = arith.constant 0 : i32
    %dma_wait3A_246 = arith.constant 0 : i32
    %dma_wait3A_247 = tpu.memref_slice %dma_wait3A_244[%dma_wait3A_245, %dma_wait3A_246] : memref<50000x128xf32, #tpu.memory_space<hbm>> -> memref<125x128xf32, #tpu.memory_space<hbm>>
    tpu.wait_dma2 semaphore(%arg18 : memref<!tpu.dma_semaphore, #tpu.memory_space<semaphore_mem>>) src(%dma_wait3A_247 : memref<125x128xf32, #tpu.memory_space<hbm>>) dst(%arg11 : memref<125x128xf32, #tpu.memory_space<vmem>>)
    %add3A_248 = arith.constant 625 : i32
    %add3A_249 = arith.addi %mul3A_2, %add3A_248 : i32
    %dma_start3A_250 = arith.constant 0 : i32
    %dma_start3A_251 = tpu.memref_slice %arg4[%add3A_249, %dma_start3A_250] : memref<200000x128xf32, #tpu.memory_space<hbm>> -> memref<125x128xf32, #tpu.memory_space<hbm>>
    %dma_start3A_252 = arith.constant 0 : i32
    %dma_start3A_253 = tpu.memref_slice %arg4[%add3A_249, %dma_start3A_252] : memref<200000x128xf32, #tpu.memory_space<hbm>> -> memref<125x128xf32, #tpu.memory_space<hbm>>
    tpu.enqueue_dma source(%arg11 : memref<125x128xf32, #tpu.memory_space<vmem>>) target(%dma_start3A_253 : memref<125x128xf32, #tpu.memory_space<hbm>>) target_semaphore(%arg25 : memref<!tpu.dma_semaphore, #tpu.memory_space<semaphore_mem>>)
    %dma_wait3A_254 = arith.constant 0 : i32
    %dma_wait3A_255 = arith.constant 0 : i32
    %dma_wait3A_256 = tpu.memref_slice %arg4[%dma_wait3A_254, %dma_wait3A_255] : memref<200000x128xf32, #tpu.memory_space<hbm>> -> memref<125x128xf32, #tpu.memory_space<hbm>>
    %dma_wait3A_257 = arith.constant 0 : i32
    %dma_wait3A_258 = arith.constant 0 : i32
    %dma_wait3A_259 = tpu.memref_slice %arg4[%dma_wait3A_257, %dma_wait3A_258] : memref<200000x128xf32, #tpu.memory_space<hbm>> -> memref<125x128xf32, #tpu.memory_space<hbm>>
    tpu.wait_dma2 semaphore(%arg22 : memref<!tpu.dma_semaphore, #tpu.memory_space<semaphore_mem>>) src(%arg8 : memref<125x128xf32, #tpu.memory_space<vmem>>) dst(%dma_wait3A_259 : memref<125x128xf32, #tpu.memory_space<hbm>>)
    %dma_start3A_260 = arith.constant 9 : i32
    %dma_start3A_261 = arith.constant 0 : i32
    %dma_start3A_262 = tpu.memref_slice %arg5[%dma_start3A_260, %dma_start3A_261] : memref<50x125xi32, #tpu.memory_space<vmem>> -> memref<1x125xi32, #tpu.memory_space<vmem>>
    %dma_start3A_263 = tpu.memref_squeeze %dma_start3A_262 : memref<1x125xi32, #tpu.memory_space<vmem>> -> memref<125xi32, #tpu.memory_space<vmem>>
    %dma_start3A_264 = arith.constant 0 : i32
    %dma_start3A_265 = arith.constant 0 : i32
    %dma_start3A_266 = tpu.memref_slice %arg2[%select_n3A, %dma_start3A_264, %dma_start3A_265] : memref<4x50000x128xf32, #tpu.memory_space<hbm>> -> memref<1x50000x128xf32, #tpu.memory_space<hbm>>
    %dma_start3A_267 = tpu.memref_squeeze %dma_start3A_266 : memref<1x50000x128xf32, #tpu.memory_space<hbm>> -> memref<50000x128xf32, #tpu.memory_space<hbm>>
    %dma_start3A_268 = arith.constant 0 : i32
    %dma_start3A_269 = arith.constant 0 : i32
    %dma_start3A_270 = tpu.memref_slice %dma_start3A_267[%dma_start3A_268, %dma_start3A_269] : memref<50000x128xf32, #tpu.memory_space<hbm>> -> memref<50000x128xf32, #tpu.memory_space<hbm>>
    tpu.enqueue_indirect_dma source(%dma_start3A_270 : memref<50000x128xf32, #tpu.memory_space<hbm>>) target(%arg8 : memref<125x128xf32, #tpu.memory_space<vmem>>) offsets(%dma_start3A_263 : memref<125xi32, #tpu.memory_space<vmem>>) semaphore(%arg15 : memref<!tpu.dma_semaphore, #tpu.memory_space<semaphore_mem>>)
    %dma_wait3A_271 = arith.constant 0 : i32
    %dma_wait3A_272 = arith.constant 0 : i32
    %dma_wait3A_273 = arith.constant 0 : i32
    %dma_wait3A_274 = tpu.memref_slice %arg2[%dma_wait3A_271, %dma_wait3A_272, %dma_wait3A_273] : memref<4x50000x128xf32, #tpu.memory_space<hbm>> -> memref<1x50000x128xf32, #tpu.memory_space<hbm>>
    %dma_wait3A_275 = tpu.memref_squeeze %dma_wait3A_274 : memref<1x50000x128xf32, #tpu.memory_space<hbm>> -> memref<50000x128xf32, #tpu.memory_space<hbm>>
    %dma_wait3A_276 = arith.constant 0 : i32
    %dma_wait3A_277 = arith.constant 0 : i32
    %dma_wait3A_278 = tpu.memref_slice %dma_wait3A_275[%dma_wait3A_276, %dma_wait3A_277] : memref<50000x128xf32, #tpu.memory_space<hbm>> -> memref<125x128xf32, #tpu.memory_space<hbm>>
    %dma_wait3A_279 = arith.constant 0 : i32
    %dma_wait3A_280 = arith.constant 0 : i32
    %dma_wait3A_281 = tpu.memref_slice %arg2[%dma_wait3A_271, %dma_wait3A_279, %dma_wait3A_280] : memref<4x50000x128xf32, #tpu.memory_space<hbm>> -> memref<1x50000x128xf32, #tpu.memory_space<hbm>>
    %dma_wait3A_282 = tpu.memref_squeeze %dma_wait3A_281 : memref<1x50000x128xf32, #tpu.memory_space<hbm>> -> memref<50000x128xf32, #tpu.memory_space<hbm>>
    %dma_wait3A_283 = arith.constant 0 : i32
    %dma_wait3A_284 = arith.constant 0 : i32
    %dma_wait3A_285 = tpu.memref_slice %dma_wait3A_282[%dma_wait3A_283, %dma_wait3A_284] : memref<50000x128xf32, #tpu.memory_space<hbm>> -> memref<125x128xf32, #tpu.memory_space<hbm>>
    tpu.wait_dma2 semaphore(%arg19 : memref<!tpu.dma_semaphore, #tpu.memory_space<semaphore_mem>>) src(%dma_wait3A_285 : memref<125x128xf32, #tpu.memory_space<hbm>>) dst(%arg12 : memref<125x128xf32, #tpu.memory_space<vmem>>)
    %add3A_286 = arith.constant 750 : i32
    %add3A_287 = arith.addi %mul3A_2, %add3A_286 : i32
    %dma_start3A_288 = arith.constant 0 : i32
    %dma_start3A_289 = tpu.memref_slice %arg4[%add3A_287, %dma_start3A_288] : memref<200000x128xf32, #tpu.memory_space<hbm>> -> memref<125x128xf32, #tpu.memory_space<hbm>>
    %dma_start3A_290 = arith.constant 0 : i32
    %dma_start3A_291 = tpu.memref_slice %arg4[%add3A_287, %dma_start3A_290] : memref<200000x128xf32, #tpu.memory_space<hbm>> -> memref<125x128xf32, #tpu.memory_space<hbm>>
    tpu.enqueue_dma source(%arg12 : memref<125x128xf32, #tpu.memory_space<vmem>>) target(%dma_start3A_291 : memref<125x128xf32, #tpu.memory_space<hbm>>) target_semaphore(%arg26 : memref<!tpu.dma_semaphore, #tpu.memory_space<semaphore_mem>>)
    %dma_wait3A_292 = arith.constant 0 : i32
    %dma_wait3A_293 = arith.constant 0 : i32
    %dma_wait3A_294 = tpu.memref_slice %arg4[%dma_wait3A_292, %dma_wait3A_293] : memref<200000x128xf32, #tpu.memory_space<hbm>> -> memref<125x128xf32, #tpu.memory_space<hbm>>
    %dma_wait3A_295 = arith.constant 0 : i32
    %dma_wait3A_296 = arith.constant 0 : i32
    %dma_wait3A_297 = tpu.memref_slice %arg4[%dma_wait3A_295, %dma_wait3A_296] : memref<200000x128xf32, #tpu.memory_space<hbm>> -> memref<125x128xf32, #tpu.memory_space<hbm>>
    tpu.wait_dma2 semaphore(%arg23 : memref<!tpu.dma_semaphore, #tpu.memory_space<semaphore_mem>>) src(%arg9 : memref<125x128xf32, #tpu.memory_space<vmem>>) dst(%dma_wait3A_297 : memref<125x128xf32, #tpu.memory_space<hbm>>)
    %dma_start3A_298 = arith.constant 10 : i32
    %dma_start3A_299 = arith.constant 0 : i32
    %dma_start3A_300 = tpu.memref_slice %arg5[%dma_start3A_298, %dma_start3A_299] : memref<50x125xi32, #tpu.memory_space<vmem>> -> memref<1x125xi32, #tpu.memory_space<vmem>>
    %dma_start3A_301 = tpu.memref_squeeze %dma_start3A_300 : memref<1x125xi32, #tpu.memory_space<vmem>> -> memref<125xi32, #tpu.memory_space<vmem>>
    %dma_start3A_302 = arith.constant 0 : i32
    %dma_start3A_303 = arith.constant 0 : i32
    %dma_start3A_304 = tpu.memref_slice %arg2[%select_n3A, %dma_start3A_302, %dma_start3A_303] : memref<4x50000x128xf32, #tpu.memory_space<hbm>> -> memref<1x50000x128xf32, #tpu.memory_space<hbm>>
    %dma_start3A_305 = tpu.memref_squeeze %dma_start3A_304 : memref<1x50000x128xf32, #tpu.memory_space<hbm>> -> memref<50000x128xf32, #tpu.memory_space<hbm>>
    %dma_start3A_306 = arith.constant 0 : i32
    %dma_start3A_307 = arith.constant 0 : i32
    %dma_start3A_308 = tpu.memref_slice %dma_start3A_305[%dma_start3A_306, %dma_start3A_307] : memref<50000x128xf32, #tpu.memory_space<hbm>> -> memref<50000x128xf32, #tpu.memory_space<hbm>>
    tpu.enqueue_indirect_dma source(%dma_start3A_308 : memref<50000x128xf32, #tpu.memory_space<hbm>>) target(%arg9 : memref<125x128xf32, #tpu.memory_space<vmem>>) offsets(%dma_start3A_301 : memref<125xi32, #tpu.memory_space<vmem>>) semaphore(%arg16 : memref<!tpu.dma_semaphore, #tpu.memory_space<semaphore_mem>>)
    %scan3A = arith.constant 0 : i32
    %scan3A_309 = arith.constant 1 : i32
    %scan3A_310 = arith.constant 5 : i32
    %scan3A_311 = arith.addi %scan3A_309, %scan3A_310 : i32
    %scan3A_312 = arith.constant 1 : i32
    scf.for %scan3A_592 = %scan3A_309 to %scan3A_311 step %scan3A_312  : i32 {
      %mul3A_593 = arith.constant 7 : i32
      %mul3A_594 = arith.muli %mul3A_593, %scan3A_592 : i32
      %add3A_595 = arith.constant 0 : i32
      %add3A_596 = arith.addi %mul3A_594, %add3A_595 : i32
      %dma_wait3A_597 = arith.constant 0 : i32
      %dma_wait3A_598 = arith.constant 0 : i32
      %dma_wait3A_599 = arith.constant 0 : i32
      %dma_wait3A_600 = tpu.memref_slice %arg2[%dma_wait3A_597, %dma_wait3A_598, %dma_wait3A_599] : memref<4x50000x128xf32, #tpu.memory_space<hbm>> -> memref<1x50000x128xf32, #tpu.memory_space<hbm>>
      %dma_wait3A_601 = tpu.memref_squeeze %dma_wait3A_600 : memref<1x50000x128xf32, #tpu.memory_space<hbm>> -> memref<50000x128xf32, #tpu.memory_space<hbm>>
      %dma_wait3A_602 = arith.constant 0 : i32
      %dma_wait3A_603 = arith.constant 0 : i32
      %dma_wait3A_604 = tpu.memref_slice %dma_wait3A_601[%dma_wait3A_602, %dma_wait3A_603] : memref<50000x128xf32, #tpu.memory_space<hbm>> -> memref<125x128xf32, #tpu.memory_space<hbm>>
      %dma_wait3A_605 = arith.constant 0 : i32
      %dma_wait3A_606 = arith.constant 0 : i32
      %dma_wait3A_607 = tpu.memref_slice %arg2[%dma_wait3A_597, %dma_wait3A_605, %dma_wait3A_606] : memref<4x50000x128xf32, #tpu.memory_space<hbm>> -> memref<1x50000x128xf32, #tpu.memory_space<hbm>>
      %dma_wait3A_608 = tpu.memref_squeeze %dma_wait3A_607 : memref<1x50000x128xf32, #tpu.memory_space<hbm>> -> memref<50000x128xf32, #tpu.memory_space<hbm>>
      %dma_wait3A_609 = arith.constant 0 : i32
      %dma_wait3A_610 = arith.constant 0 : i32
      %dma_wait3A_611 = tpu.memref_slice %dma_wait3A_608[%dma_wait3A_609, %dma_wait3A_610] : memref<50000x128xf32, #tpu.memory_space<hbm>> -> memref<125x128xf32, #tpu.memory_space<hbm>>
      tpu.wait_dma2 semaphore(%arg13 : memref<!tpu.dma_semaphore, #tpu.memory_space<semaphore_mem>>) src(%dma_wait3A_611 : memref<125x128xf32, #tpu.memory_space<hbm>>) dst(%arg6 : memref<125x128xf32, #tpu.memory_space<vmem>>)
      %mul3A_612 = arith.constant 125 : i32
      %mul3A_613 = arith.muli %add3A_596, %mul3A_612 : i32
      %add3A_614 = arith.addi %mul3A_2, %mul3A_613 : i32
      %dma_start3A_615 = arith.constant 0 : i32
      %dma_start3A_616 = tpu.memref_slice %arg4[%add3A_614, %dma_start3A_615] : memref<200000x128xf32, #tpu.memory_space<hbm>> -> memref<125x128xf32, #tpu.memory_space<hbm>>
      %dma_start3A_617 = arith.constant 0 : i32
      %dma_start3A_618 = tpu.memref_slice %arg4[%add3A_614, %dma_start3A_617] : memref<200000x128xf32, #tpu.memory_space<hbm>> -> memref<125x128xf32, #tpu.memory_space<hbm>>
      tpu.enqueue_dma source(%arg6 : memref<125x128xf32, #tpu.memory_space<vmem>>) target(%dma_start3A_618 : memref<125x128xf32, #tpu.memory_space<hbm>>) target_semaphore(%arg20 : memref<!tpu.dma_semaphore, #tpu.memory_space<semaphore_mem>>)
      %dma_wait3A_619 = arith.constant 0 : i32
      %dma_wait3A_620 = arith.constant 0 : i32
      %dma_wait3A_621 = tpu.memref_slice %arg4[%dma_wait3A_619, %dma_wait3A_620] : memref<200000x128xf32, #tpu.memory_space<hbm>> -> memref<125x128xf32, #tpu.memory_space<hbm>>
      %dma_wait3A_622 = arith.constant 0 : i32
      %dma_wait3A_623 = arith.constant 0 : i32
      %dma_wait3A_624 = tpu.memref_slice %arg4[%dma_wait3A_622, %dma_wait3A_623] : memref<200000x128xf32, #tpu.memory_space<hbm>> -> memref<125x128xf32, #tpu.memory_space<hbm>>
      tpu.wait_dma2 semaphore(%arg24 : memref<!tpu.dma_semaphore, #tpu.memory_space<semaphore_mem>>) src(%arg10 : memref<125x128xf32, #tpu.memory_space<vmem>>) dst(%dma_wait3A_624 : memref<125x128xf32, #tpu.memory_space<hbm>>)
      %add3A_625 = arith.constant 4 : i32
      %add3A_626 = arith.addi %add3A_596, %add3A_625 : i32
      %dma_start3A_627 = arith.constant 0 : i32
      %dma_start3A_628 = tpu.memref_slice %arg5[%add3A_626, %dma_start3A_627] : memref<50x125xi32, #tpu.memory_space<vmem>> -> memref<1x125xi32, #tpu.memory_space<vmem>>
      %dma_start3A_629 = tpu.memref_squeeze %dma_start3A_628 : memref<1x125xi32, #tpu.memory_space<vmem>> -> memref<125xi32, #tpu.memory_space<vmem>>
      %dma_start3A_630 = arith.constant 0 : i32
      %dma_start3A_631 = arith.constant 0 : i32
      %dma_start3A_632 = tpu.memref_slice %arg2[%select_n3A, %dma_start3A_630, %dma_start3A_631] : memref<4x50000x128xf32, #tpu.memory_space<hbm>> -> memref<1x50000x128xf32, #tpu.memory_space<hbm>>
      %dma_start3A_633 = tpu.memref_squeeze %dma_start3A_632 : memref<1x50000x128xf32, #tpu.memory_space<hbm>> -> memref<50000x128xf32, #tpu.memory_space<hbm>>
      %dma_start3A_634 = arith.constant 0 : i32
      %dma_start3A_635 = arith.constant 0 : i32
      %dma_start3A_636 = tpu.memref_slice %dma_start3A_633[%dma_start3A_634, %dma_start3A_635] : memref<50000x128xf32, #tpu.memory_space<hbm>> -> memref<50000x128xf32, #tpu.memory_space<hbm>>
      tpu.enqueue_indirect_dma source(%dma_start3A_636 : memref<50000x128xf32, #tpu.memory_space<hbm>>) target(%arg10 : memref<125x128xf32, #tpu.memory_space<vmem>>) offsets(%dma_start3A_629 : memref<125xi32, #tpu.memory_space<vmem>>) semaphore(%arg17 : memref<!tpu.dma_semaphore, #tpu.memory_space<semaphore_mem>>)
      %mul3A_637 = arith.constant 7 : i32
      %mul3A_638 = arith.muli %mul3A_637, %scan3A_592 : i32
      %add3A_639 = arith.constant 1 : i32
      %add3A_640 = arith.addi %mul3A_638, %add3A_639 : i32
      %dma_wait3A_641 = arith.constant 0 : i32
      %dma_wait3A_642 = arith.constant 0 : i32
      %dma_wait3A_643 = arith.constant 0 : i32
      %dma_wait3A_644 = tpu.memref_slice %arg2[%dma_wait3A_641, %dma_wait3A_642, %dma_wait3A_643] : memref<4x50000x128xf32, #tpu.memory_space<hbm>> -> memref<1x50000x128xf32, #tpu.memory_space<hbm>>
      %dma_wait3A_645 = tpu.memref_squeeze %dma_wait3A_644 : memref<1x50000x128xf32, #tpu.memory_space<hbm>> -> memref<50000x128xf32, #tpu.memory_space<hbm>>
      %dma_wait3A_646 = arith.constant 0 : i32
      %dma_wait3A_647 = arith.constant 0 : i32
      %dma_wait3A_648 = tpu.memref_slice %dma_wait3A_645[%dma_wait3A_646, %dma_wait3A_647] : memref<50000x128xf32, #tpu.memory_space<hbm>> -> memref<125x128xf32, #tpu.memory_space<hbm>>
      %dma_wait3A_649 = arith.constant 0 : i32
      %dma_wait3A_650 = arith.constant 0 : i32
      %dma_wait3A_651 = tpu.memref_slice %arg2[%dma_wait3A_641, %dma_wait3A_649, %dma_wait3A_650] : memref<4x50000x128xf32, #tpu.memory_space<hbm>> -> memref<1x50000x128xf32, #tpu.memory_space<hbm>>
      %dma_wait3A_652 = tpu.memref_squeeze %dma_wait3A_651 : memref<1x50000x128xf32, #tpu.memory_space<hbm>> -> memref<50000x128xf32, #tpu.memory_space<hbm>>
      %dma_wait3A_653 = arith.constant 0 : i32
      %dma_wait3A_654 = arith.constant 0 : i32
      %dma_wait3A_655 = tpu.memref_slice %dma_wait3A_652[%dma_wait3A_653, %dma_wait3A_654] : memref<50000x128xf32, #tpu.memory_space<hbm>> -> memref<125x128xf32, #tpu.memory_space<hbm>>
      tpu.wait_dma2 semaphore(%arg14 : memref<!tpu.dma_semaphore, #tpu.memory_space<semaphore_mem>>) src(%dma_wait3A_655 : memref<125x128xf32, #tpu.memory_space<hbm>>) dst(%arg7 : memref<125x128xf32, #tpu.memory_space<vmem>>)
      %mul3A_656 = arith.constant 125 : i32
      %mul3A_657 = arith.muli %add3A_640, %mul3A_656 : i32
      %add3A_658 = arith.addi %mul3A_2, %mul3A_657 : i32
      %dma_start3A_659 = arith.constant 0 : i32
      %dma_start3A_660 = tpu.memref_slice %arg4[%add3A_658, %dma_start3A_659] : memref<200000x128xf32, #tpu.memory_space<hbm>> -> memref<125x128xf32, #tpu.memory_space<hbm>>
      %dma_start3A_661 = arith.constant 0 : i32
      %dma_start3A_662 = tpu.memref_slice %arg4[%add3A_658, %dma_start3A_661] : memref<200000x128xf32, #tpu.memory_space<hbm>> -> memref<125x128xf32, #tpu.memory_space<hbm>>
      tpu.enqueue_dma source(%arg7 : memref<125x128xf32, #tpu.memory_space<vmem>>) target(%dma_start3A_662 : memref<125x128xf32, #tpu.memory_space<hbm>>) target_semaphore(%arg21 : memref<!tpu.dma_semaphore, #tpu.memory_space<semaphore_mem>>)
      %dma_wait3A_663 = arith.constant 0 : i32
      %dma_wait3A_664 = arith.constant 0 : i32
      %dma_wait3A_665 = tpu.memref_slice %arg4[%dma_wait3A_663, %dma_wait3A_664] : memref<200000x128xf32, #tpu.memory_space<hbm>> -> memref<125x128xf32, #tpu.memory_space<hbm>>
      %dma_wait3A_666 = arith.constant 0 : i32
      %dma_wait3A_667 = arith.constant 0 : i32
      %dma_wait3A_668 = tpu.memref_slice %arg4[%dma_wait3A_666, %dma_wait3A_667] : memref<200000x128xf32, #tpu.memory_space<hbm>> -> memref<125x128xf32, #tpu.memory_space<hbm>>
      tpu.wait_dma2 semaphore(%arg25 : memref<!tpu.dma_semaphore, #tpu.memory_space<semaphore_mem>>) src(%arg11 : memref<125x128xf32, #tpu.memory_space<vmem>>) dst(%dma_wait3A_668 : memref<125x128xf32, #tpu.memory_space<hbm>>)
      %add3A_669 = arith.constant 4 : i32
      %add3A_670 = arith.addi %add3A_640, %add3A_669 : i32
      %dma_start3A_671 = arith.constant 0 : i32
      %dma_start3A_672 = tpu.memref_slice %arg5[%add3A_670, %dma_start3A_671] : memref<50x125xi32, #tpu.memory_space<vmem>> -> memref<1x125xi32, #tpu.memory_space<vmem>>
      %dma_start3A_673 = tpu.memref_squeeze %dma_start3A_672 : memref<1x125xi32, #tpu.memory_space<vmem>> -> memref<125xi32, #tpu.memory_space<vmem>>
      %dma_start3A_674 = arith.constant 0 : i32
      %dma_start3A_675 = arith.constant 0 : i32
      %dma_start3A_676 = tpu.memref_slice %arg2[%select_n3A, %dma_start3A_674, %dma_start3A_675] : memref<4x50000x128xf32, #tpu.memory_space<hbm>> -> memref<1x50000x128xf32, #tpu.memory_space<hbm>>
      %dma_start3A_677 = tpu.memref_squeeze %dma_start3A_676 : memref<1x50000x128xf32, #tpu.memory_space<hbm>> -> memref<50000x128xf32, #tpu.memory_space<hbm>>
      %dma_start3A_678 = arith.constant 0 : i32
      %dma_start3A_679 = arith.constant 0 : i32
      %dma_start3A_680 = tpu.memref_slice %dma_start3A_677[%dma_start3A_678, %dma_start3A_679] : memref<50000x128xf32, #tpu.memory_space<hbm>> -> memref<50000x128xf32, #tpu.memory_space<hbm>>
      tpu.enqueue_indirect_dma source(%dma_start3A_680 : memref<50000x128xf32, #tpu.memory_space<hbm>>) target(%arg11 : memref<125x128xf32, #tpu.memory_space<vmem>>) offsets(%dma_start3A_673 : memref<125xi32, #tpu.memory_space<vmem>>) semaphore(%arg18 : memref<!tpu.dma_semaphore, #tpu.memory_space<semaphore_mem>>)
      %mul3A_681 = arith.constant 7 : i32
      %mul3A_682 = arith.muli %mul3A_681, %scan3A_592 : i32
      %add3A_683 = arith.constant 2 : i32
      %add3A_684 = arith.addi %mul3A_682, %add3A_683 : i32
      %dma_wait3A_685 = arith.constant 0 : i32
      %dma_wait3A_686 = arith.constant 0 : i32
      %dma_wait3A_687 = arith.constant 0 : i32
      %dma_wait3A_688 = tpu.memref_slice %arg2[%dma_wait3A_685, %dma_wait3A_686, %dma_wait3A_687] : memref<4x50000x128xf32, #tpu.memory_space<hbm>> -> memref<1x50000x128xf32, #tpu.memory_space<hbm>>
      %dma_wait3A_689 = tpu.memref_squeeze %dma_wait3A_688 : memref<1x50000x128xf32, #tpu.memory_space<hbm>> -> memref<50000x128xf32, #tpu.memory_space<hbm>>
      %dma_wait3A_690 = arith.constant 0 : i32
      %dma_wait3A_691 = arith.constant 0 : i32
      %dma_wait3A_692 = tpu.memref_slice %dma_wait3A_689[%dma_wait3A_690, %dma_wait3A_691] : memref<50000x128xf32, #tpu.memory_space<hbm>> -> memref<125x128xf32, #tpu.memory_space<hbm>>
      %dma_wait3A_693 = arith.constant 0 : i32
      %dma_wait3A_694 = arith.constant 0 : i32
      %dma_wait3A_695 = tpu.memref_slice %arg2[%dma_wait3A_685, %dma_wait3A_693, %dma_wait3A_694] : memref<4x50000x128xf32, #tpu.memory_space<hbm>> -> memref<1x50000x128xf32, #tpu.memory_space<hbm>>
      %dma_wait3A_696 = tpu.memref_squeeze %dma_wait3A_695 : memref<1x50000x128xf32, #tpu.memory_space<hbm>> -> memref<50000x128xf32, #tpu.memory_space<hbm>>
      %dma_wait3A_697 = arith.constant 0 : i32
      %dma_wait3A_698 = arith.constant 0 : i32
      %dma_wait3A_699 = tpu.memref_slice %dma_wait3A_696[%dma_wait3A_697, %dma_wait3A_698] : memref<50000x128xf32, #tpu.memory_space<hbm>> -> memref<125x128xf32, #tpu.memory_space<hbm>>
      tpu.wait_dma2 semaphore(%arg15 : memref<!tpu.dma_semaphore, #tpu.memory_space<semaphore_mem>>) src(%dma_wait3A_699 : memref<125x128xf32, #tpu.memory_space<hbm>>) dst(%arg8 : memref<125x128xf32, #tpu.memory_space<vmem>>)
      %mul3A_700 = arith.constant 125 : i32
      %mul3A_701 = arith.muli %add3A_684, %mul3A_700 : i32
      %add3A_702 = arith.addi %mul3A_2, %mul3A_701 : i32
      %dma_start3A_703 = arith.constant 0 : i32
      %dma_start3A_704 = tpu.memref_slice %arg4[%add3A_702, %dma_start3A_703] : memref<200000x128xf32, #tpu.memory_space<hbm>> -> memref<125x128xf32, #tpu.memory_space<hbm>>
      %dma_start3A_705 = arith.constant 0 : i32
      %dma_start3A_706 = tpu.memref_slice %arg4[%add3A_702, %dma_start3A_705] : memref<200000x128xf32, #tpu.memory_space<hbm>> -> memref<125x128xf32, #tpu.memory_space<hbm>>
      tpu.enqueue_dma source(%arg8 : memref<125x128xf32, #tpu.memory_space<vmem>>) target(%dma_start3A_706 : memref<125x128xf32, #tpu.memory_space<hbm>>) target_semaphore(%arg22 : memref<!tpu.dma_semaphore, #tpu.memory_space<semaphore_mem>>)
      %dma_wait3A_707 = arith.constant 0 : i32
      %dma_wait3A_708 = arith.constant 0 : i32
      %dma_wait3A_709 = tpu.memref_slice %arg4[%dma_wait3A_707, %dma_wait3A_708] : memref<200000x128xf32, #tpu.memory_space<hbm>> -> memref<125x128xf32, #tpu.memory_space<hbm>>
      %dma_wait3A_710 = arith.constant 0 : i32
      %dma_wait3A_711 = arith.constant 0 : i32
      %dma_wait3A_712 = tpu.memref_slice %arg4[%dma_wait3A_710, %dma_wait3A_711] : memref<200000x128xf32, #tpu.memory_space<hbm>> -> memref<125x128xf32, #tpu.memory_space<hbm>>
      tpu.wait_dma2 semaphore(%arg26 : memref<!tpu.dma_semaphore, #tpu.memory_space<semaphore_mem>>) src(%arg12 : memref<125x128xf32, #tpu.memory_space<vmem>>) dst(%dma_wait3A_712 : memref<125x128xf32, #tpu.memory_space<hbm>>)
      %add3A_713 = arith.constant 4 : i32
      %add3A_714 = arith.addi %add3A_684, %add3A_713 : i32
      %dma_start3A_715 = arith.constant 0 : i32
      %dma_start3A_716 = tpu.memref_slice %arg5[%add3A_714, %dma_start3A_715] : memref<50x125xi32, #tpu.memory_space<vmem>> -> memref<1x125xi32, #tpu.memory_space<vmem>>
      %dma_start3A_717 = tpu.memref_squeeze %dma_start3A_716 : memref<1x125xi32, #tpu.memory_space<vmem>> -> memref<125xi32, #tpu.memory_space<vmem>>
      %dma_start3A_718 = arith.constant 0 : i32
      %dma_start3A_719 = arith.constant 0 : i32
      %dma_start3A_720 = tpu.memref_slice %arg2[%select_n3A, %dma_start3A_718, %dma_start3A_719] : memref<4x50000x128xf32, #tpu.memory_space<hbm>> -> memref<1x50000x128xf32, #tpu.memory_space<hbm>>
      %dma_start3A_721 = tpu.memref_squeeze %dma_start3A_720 : memref<1x50000x128xf32, #tpu.memory_space<hbm>> -> memref<50000x128xf32, #tpu.memory_space<hbm>>
      %dma_start3A_722 = arith.constant 0 : i32
      %dma_start3A_723 = arith.constant 0 : i32
      %dma_start3A_724 = tpu.memref_slice %dma_start3A_721[%dma_start3A_722, %dma_start3A_723] : memref<50000x128xf32, #tpu.memory_space<hbm>> -> memref<50000x128xf32, #tpu.memory_space<hbm>>
      tpu.enqueue_indirect_dma source(%dma_start3A_724 : memref<50000x128xf32, #tpu.memory_space<hbm>>) target(%arg12 : memref<125x128xf32, #tpu.memory_space<vmem>>) offsets(%dma_start3A_717 : memref<125xi32, #tpu.memory_space<vmem>>) semaphore(%arg19 : memref<!tpu.dma_semaphore, #tpu.memory_space<semaphore_mem>>)
      %mul3A_725 = arith.constant 7 : i32
      %mul3A_726 = arith.muli %mul3A_725, %scan3A_592 : i32
      %add3A_727 = arith.constant 3 : i32
      %add3A_728 = arith.addi %mul3A_726, %add3A_727 : i32
      %dma_wait3A_729 = arith.constant 0 : i32
      %dma_wait3A_730 = arith.constant 0 : i32
      %dma_wait3A_731 = arith.constant 0 : i32
      %dma_wait3A_732 = tpu.memref_slice %arg2[%dma_wait3A_729, %dma_wait3A_730, %dma_wait3A_731] : memref<4x50000x128xf32, #tpu.memory_space<hbm>> -> memref<1x50000x128xf32, #tpu.memory_space<hbm>>
      %dma_wait3A_733 = tpu.memref_squeeze %dma_wait3A_732 : memref<1x50000x128xf32, #tpu.memory_space<hbm>> -> memref<50000x128xf32, #tpu.memory_space<hbm>>
      %dma_wait3A_734 = arith.constant 0 : i32
      %dma_wait3A_735 = arith.constant 0 : i32
      %dma_wait3A_736 = tpu.memref_slice %dma_wait3A_733[%dma_wait3A_734, %dma_wait3A_735] : memref<50000x128xf32, #tpu.memory_space<hbm>> -> memref<125x128xf32, #tpu.memory_space<hbm>>
      %dma_wait3A_737 = arith.constant 0 : i32
      %dma_wait3A_738 = arith.constant 0 : i32
      %dma_wait3A_739 = tpu.memref_slice %arg2[%dma_wait3A_729, %dma_wait3A_737, %dma_wait3A_738] : memref<4x50000x128xf32, #tpu.memory_space<hbm>> -> memref<1x50000x128xf32, #tpu.memory_space<hbm>>
      %dma_wait3A_740 = tpu.memref_squeeze %dma_wait3A_739 : memref<1x50000x128xf32, #tpu.memory_space<hbm>> -> memref<50000x128xf32, #tpu.memory_space<hbm>>
      %dma_wait3A_741 = arith.constant 0 : i32
      %dma_wait3A_742 = arith.constant 0 : i32
      %dma_wait3A_743 = tpu.memref_slice %dma_wait3A_740[%dma_wait3A_741, %dma_wait3A_742] : memref<50000x128xf32, #tpu.memory_space<hbm>> -> memref<125x128xf32, #tpu.memory_space<hbm>>
      tpu.wait_dma2 semaphore(%arg16 : memref<!tpu.dma_semaphore, #tpu.memory_space<semaphore_mem>>) src(%dma_wait3A_743 : memref<125x128xf32, #tpu.memory_space<hbm>>) dst(%arg9 : memref<125x128xf32, #tpu.memory_space<vmem>>)
      %mul3A_744 = arith.constant 125 : i32
      %mul3A_745 = arith.muli %add3A_728, %mul3A_744 : i32
      %add3A_746 = arith.addi %mul3A_2, %mul3A_745 : i32
      %dma_start3A_747 = arith.constant 0 : i32
      %dma_start3A_748 = tpu.memref_slice %arg4[%add3A_746, %dma_start3A_747] : memref<200000x128xf32, #tpu.memory_space<hbm>> -> memref<125x128xf32, #tpu.memory_space<hbm>>
      %dma_start3A_749 = arith.constant 0 : i32
      %dma_start3A_750 = tpu.memref_slice %arg4[%add3A_746, %dma_start3A_749] : memref<200000x128xf32, #tpu.memory_space<hbm>> -> memref<125x128xf32, #tpu.memory_space<hbm>>
      tpu.enqueue_dma source(%arg9 : memref<125x128xf32, #tpu.memory_space<vmem>>) target(%dma_start3A_750 : memref<125x128xf32, #tpu.memory_space<hbm>>) target_semaphore(%arg23 : memref<!tpu.dma_semaphore, #tpu.memory_space<semaphore_mem>>)
      %dma_wait3A_751 = arith.constant 0 : i32
      %dma_wait3A_752 = arith.constant 0 : i32
      %dma_wait3A_753 = tpu.memref_slice %arg4[%dma_wait3A_751, %dma_wait3A_752] : memref<200000x128xf32, #tpu.memory_space<hbm>> -> memref<125x128xf32, #tpu.memory_space<hbm>>
      %dma_wait3A_754 = arith.constant 0 : i32
      %dma_wait3A_755 = arith.constant 0 : i32
      %dma_wait3A_756 = tpu.memref_slice %arg4[%dma_wait3A_754, %dma_wait3A_755] : memref<200000x128xf32, #tpu.memory_space<hbm>> -> memref<125x128xf32, #tpu.memory_space<hbm>>
      tpu.wait_dma2 semaphore(%arg20 : memref<!tpu.dma_semaphore, #tpu.memory_space<semaphore_mem>>) src(%arg6 : memref<125x128xf32, #tpu.memory_space<vmem>>) dst(%dma_wait3A_756 : memref<125x128xf32, #tpu.memory_space<hbm>>)
      %add3A_757 = arith.constant 4 : i32
      %add3A_758 = arith.addi %add3A_728, %add3A_757 : i32
      %dma_start3A_759 = arith.constant 0 : i32
      %dma_start3A_760 = tpu.memref_slice %arg5[%add3A_758, %dma_start3A_759] : memref<50x125xi32, #tpu.memory_space<vmem>> -> memref<1x125xi32, #tpu.memory_space<vmem>>
      %dma_start3A_761 = tpu.memref_squeeze %dma_start3A_760 : memref<1x125xi32, #tpu.memory_space<vmem>> -> memref<125xi32, #tpu.memory_space<vmem>>
      %dma_start3A_762 = arith.constant 0 : i32
      %dma_start3A_763 = arith.constant 0 : i32
      %dma_start3A_764 = tpu.memref_slice %arg2[%select_n3A, %dma_start3A_762, %dma_start3A_763] : memref<4x50000x128xf32, #tpu.memory_space<hbm>> -> memref<1x50000x128xf32, #tpu.memory_space<hbm>>
      %dma_start3A_765 = tpu.memref_squeeze %dma_start3A_764 : memref<1x50000x128xf32, #tpu.memory_space<hbm>> -> memref<50000x128xf32, #tpu.memory_space<hbm>>
      %dma_start3A_766 = arith.constant 0 : i32
      %dma_start3A_767 = arith.constant 0 : i32
      %dma_start3A_768 = tpu.memref_slice %dma_start3A_765[%dma_start3A_766, %dma_start3A_767] : memref<50000x128xf32, #tpu.memory_space<hbm>> -> memref<50000x128xf32, #tpu.memory_space<hbm>>
      tpu.enqueue_indirect_dma source(%dma_start3A_768 : memref<50000x128xf32, #tpu.memory_space<hbm>>) target(%arg6 : memref<125x128xf32, #tpu.memory_space<vmem>>) offsets(%dma_start3A_761 : memref<125xi32, #tpu.memory_space<vmem>>) semaphore(%arg13 : memref<!tpu.dma_semaphore, #tpu.memory_space<semaphore_mem>>)
      %mul3A_769 = arith.constant 7 : i32
      %mul3A_770 = arith.muli %mul3A_769, %scan3A_592 : i32
      %add3A_771 = arith.constant 4 : i32
      %add3A_772 = arith.addi %mul3A_770, %add3A_771 : i32
      %dma_wait3A_773 = arith.constant 0 : i32
      %dma_wait3A_774 = arith.constant 0 : i32
      %dma_wait3A_775 = arith.constant 0 : i32
      %dma_wait3A_776 = tpu.memref_slice %arg2[%dma_wait3A_773, %dma_wait3A_774, %dma_wait3A_775] : memref<4x50000x128xf32, #tpu.memory_space<hbm>> -> memref<1x50000x128xf32, #tpu.memory_space<hbm>>
      %dma_wait3A_777 = tpu.memref_squeeze %dma_wait3A_776 : memref<1x50000x128xf32, #tpu.memory_space<hbm>> -> memref<50000x128xf32, #tpu.memory_space<hbm>>
      %dma_wait3A_778 = arith.constant 0 : i32
      %dma_wait3A_779 = arith.constant 0 : i32
      %dma_wait3A_780 = tpu.memref_slice %dma_wait3A_777[%dma_wait3A_778, %dma_wait3A_779] : memref<50000x128xf32, #tpu.memory_space<hbm>> -> memref<125x128xf32, #tpu.memory_space<hbm>>
      %dma_wait3A_781 = arith.constant 0 : i32
      %dma_wait3A_782 = arith.constant 0 : i32
      %dma_wait3A_783 = tpu.memref_slice %arg2[%dma_wait3A_773, %dma_wait3A_781, %dma_wait3A_782] : memref<4x50000x128xf32, #tpu.memory_space<hbm>> -> memref<1x50000x128xf32, #tpu.memory_space<hbm>>
      %dma_wait3A_784 = tpu.memref_squeeze %dma_wait3A_783 : memref<1x50000x128xf32, #tpu.memory_space<hbm>> -> memref<50000x128xf32, #tpu.memory_space<hbm>>
      %dma_wait3A_785 = arith.constant 0 : i32
      %dma_wait3A_786 = arith.constant 0 : i32
      %dma_wait3A_787 = tpu.memref_slice %dma_wait3A_784[%dma_wait3A_785, %dma_wait3A_786] : memref<50000x128xf32, #tpu.memory_space<hbm>> -> memref<125x128xf32, #tpu.memory_space<hbm>>
      tpu.wait_dma2 semaphore(%arg17 : memref<!tpu.dma_semaphore, #tpu.memory_space<semaphore_mem>>) src(%dma_wait3A_787 : memref<125x128xf32, #tpu.memory_space<hbm>>) dst(%arg10 : memref<125x128xf32, #tpu.memory_space<vmem>>)
      %mul3A_788 = arith.constant 125 : i32
      %mul3A_789 = arith.muli %add3A_772, %mul3A_788 : i32
      %add3A_790 = arith.addi %mul3A_2, %mul3A_789 : i32
      %dma_start3A_791 = arith.constant 0 : i32
      %dma_start3A_792 = tpu.memref_slice %arg4[%add3A_790, %dma_start3A_791] : memref<200000x128xf32, #tpu.memory_space<hbm>> -> memref<125x128xf32, #tpu.memory_space<hbm>>
      %dma_start3A_793 = arith.constant 0 : i32
      %dma_start3A_794 = tpu.memref_slice %arg4[%add3A_790, %dma_start3A_793] : memref<200000x128xf32, #tpu.memory_space<hbm>> -> memref<125x128xf32, #tpu.memory_space<hbm>>
      tpu.enqueue_dma source(%arg10 : memref<125x128xf32, #tpu.memory_space<vmem>>) target(%dma_start3A_794 : memref<125x128xf32, #tpu.memory_space<hbm>>) target_semaphore(%arg24 : memref<!tpu.dma_semaphore, #tpu.memory_space<semaphore_mem>>)
      %dma_wait3A_795 = arith.constant 0 : i32
      %dma_wait3A_796 = arith.constant 0 : i32
      %dma_wait3A_797 = tpu.memref_slice %arg4[%dma_wait3A_795, %dma_wait3A_796] : memref<200000x128xf32, #tpu.memory_space<hbm>> -> memref<125x128xf32, #tpu.memory_space<hbm>>
      %dma_wait3A_798 = arith.constant 0 : i32
      %dma_wait3A_799 = arith.constant 0 : i32
      %dma_wait3A_800 = tpu.memref_slice %arg4[%dma_wait3A_798, %dma_wait3A_799] : memref<200000x128xf32, #tpu.memory_space<hbm>> -> memref<125x128xf32, #tpu.memory_space<hbm>>
      tpu.wait_dma2 semaphore(%arg21 : memref<!tpu.dma_semaphore, #tpu.memory_space<semaphore_mem>>) src(%arg7 : memref<125x128xf32, #tpu.memory_space<vmem>>) dst(%dma_wait3A_800 : memref<125x128xf32, #tpu.memory_space<hbm>>)
      %add3A_801 = arith.constant 4 : i32
      %add3A_802 = arith.addi %add3A_772, %add3A_801 : i32
      %dma_start3A_803 = arith.constant 0 : i32
      %dma_start3A_804 = tpu.memref_slice %arg5[%add3A_802, %dma_start3A_803] : memref<50x125xi32, #tpu.memory_space<vmem>> -> memref<1x125xi32, #tpu.memory_space<vmem>>
      %dma_start3A_805 = tpu.memref_squeeze %dma_start3A_804 : memref<1x125xi32, #tpu.memory_space<vmem>> -> memref<125xi32, #tpu.memory_space<vmem>>
      %dma_start3A_806 = arith.constant 0 : i32
      %dma_start3A_807 = arith.constant 0 : i32
      %dma_start3A_808 = tpu.memref_slice %arg2[%select_n3A, %dma_start3A_806, %dma_start3A_807] : memref<4x50000x128xf32, #tpu.memory_space<hbm>> -> memref<1x50000x128xf32, #tpu.memory_space<hbm>>
      %dma_start3A_809 = tpu.memref_squeeze %dma_start3A_808 : memref<1x50000x128xf32, #tpu.memory_space<hbm>> -> memref<50000x128xf32, #tpu.memory_space<hbm>>
      %dma_start3A_810 = arith.constant 0 : i32
      %dma_start3A_811 = arith.constant 0 : i32
      %dma_start3A_812 = tpu.memref_slice %dma_start3A_809[%dma_start3A_810, %dma_start3A_811] : memref<50000x128xf32, #tpu.memory_space<hbm>> -> memref<50000x128xf32, #tpu.memory_space<hbm>>
      tpu.enqueue_indirect_dma source(%dma_start3A_812 : memref<50000x128xf32, #tpu.memory_space<hbm>>) target(%arg7 : memref<125x128xf32, #tpu.memory_space<vmem>>) offsets(%dma_start3A_805 : memref<125xi32, #tpu.memory_space<vmem>>) semaphore(%arg14 : memref<!tpu.dma_semaphore, #tpu.memory_space<semaphore_mem>>)
      %mul3A_813 = arith.constant 7 : i32
      %mul3A_814 = arith.muli %mul3A_813, %scan3A_592 : i32
      %add3A_815 = arith.constant 5 : i32
      %add3A_816 = arith.addi %mul3A_814, %add3A_815 : i32
      %dma_wait3A_817 = arith.constant 0 : i32
      %dma_wait3A_818 = arith.constant 0 : i32
      %dma_wait3A_819 = arith.constant 0 : i32
      %dma_wait3A_820 = tpu.memref_slice %arg2[%dma_wait3A_817, %dma_wait3A_818, %dma_wait3A_819] : memref<4x50000x128xf32, #tpu.memory_space<hbm>> -> memref<1x50000x128xf32, #tpu.memory_space<hbm>>
      %dma_wait3A_821 = tpu.memref_squeeze %dma_wait3A_820 : memref<1x50000x128xf32, #tpu.memory_space<hbm>> -> memref<50000x128xf32, #tpu.memory_space<hbm>>
      %dma_wait3A_822 = arith.constant 0 : i32
      %dma_wait3A_823 = arith.constant 0 : i32
      %dma_wait3A_824 = tpu.memref_slice %dma_wait3A_821[%dma_wait3A_822, %dma_wait3A_823] : memref<50000x128xf32, #tpu.memory_space<hbm>> -> memref<125x128xf32, #tpu.memory_space<hbm>>
      %dma_wait3A_825 = arith.constant 0 : i32
      %dma_wait3A_826 = arith.constant 0 : i32
      %dma_wait3A_827 = tpu.memref_slice %arg2[%dma_wait3A_817, %dma_wait3A_825, %dma_wait3A_826] : memref<4x50000x128xf32, #tpu.memory_space<hbm>> -> memref<1x50000x128xf32, #tpu.memory_space<hbm>>
      %dma_wait3A_828 = tpu.memref_squeeze %dma_wait3A_827 : memref<1x50000x128xf32, #tpu.memory_space<hbm>> -> memref<50000x128xf32, #tpu.memory_space<hbm>>
      %dma_wait3A_829 = arith.constant 0 : i32
      %dma_wait3A_830 = arith.constant 0 : i32
      %dma_wait3A_831 = tpu.memref_slice %dma_wait3A_828[%dma_wait3A_829, %dma_wait3A_830] : memref<50000x128xf32, #tpu.memory_space<hbm>> -> memref<125x128xf32, #tpu.memory_space<hbm>>
      tpu.wait_dma2 semaphore(%arg18 : memref<!tpu.dma_semaphore, #tpu.memory_space<semaphore_mem>>) src(%dma_wait3A_831 : memref<125x128xf32, #tpu.memory_space<hbm>>) dst(%arg11 : memref<125x128xf32, #tpu.memory_space<vmem>>)
      %mul3A_832 = arith.constant 125 : i32
      %mul3A_833 = arith.muli %add3A_816, %mul3A_832 : i32
      %add3A_834 = arith.addi %mul3A_2, %mul3A_833 : i32
      %dma_start3A_835 = arith.constant 0 : i32
      %dma_start3A_836 = tpu.memref_slice %arg4[%add3A_834, %dma_start3A_835] : memref<200000x128xf32, #tpu.memory_space<hbm>> -> memref<125x128xf32, #tpu.memory_space<hbm>>
      %dma_start3A_837 = arith.constant 0 : i32
      %dma_start3A_838 = tpu.memref_slice %arg4[%add3A_834, %dma_start3A_837] : memref<200000x128xf32, #tpu.memory_space<hbm>> -> memref<125x128xf32, #tpu.memory_space<hbm>>
      tpu.enqueue_dma source(%arg11 : memref<125x128xf32, #tpu.memory_space<vmem>>) target(%dma_start3A_838 : memref<125x128xf32, #tpu.memory_space<hbm>>) target_semaphore(%arg25 : memref<!tpu.dma_semaphore, #tpu.memory_space<semaphore_mem>>)
      %dma_wait3A_839 = arith.constant 0 : i32
      %dma_wait3A_840 = arith.constant 0 : i32
      %dma_wait3A_841 = tpu.memref_slice %arg4[%dma_wait3A_839, %dma_wait3A_840] : memref<200000x128xf32, #tpu.memory_space<hbm>> -> memref<125x128xf32, #tpu.memory_space<hbm>>
      %dma_wait3A_842 = arith.constant 0 : i32
      %dma_wait3A_843 = arith.constant 0 : i32
      %dma_wait3A_844 = tpu.memref_slice %arg4[%dma_wait3A_842, %dma_wait3A_843] : memref<200000x128xf32, #tpu.memory_space<hbm>> -> memref<125x128xf32, #tpu.memory_space<hbm>>
      tpu.wait_dma2 semaphore(%arg22 : memref<!tpu.dma_semaphore, #tpu.memory_space<semaphore_mem>>) src(%arg8 : memref<125x128xf32, #tpu.memory_space<vmem>>) dst(%dma_wait3A_844 : memref<125x128xf32, #tpu.memory_space<hbm>>)
      %add3A_845 = arith.constant 4 : i32
      %add3A_846 = arith.addi %add3A_816, %add3A_845 : i32
      %dma_start3A_847 = arith.constant 0 : i32
      %dma_start3A_848 = tpu.memref_slice %arg5[%add3A_846, %dma_start3A_847] : memref<50x125xi32, #tpu.memory_space<vmem>> -> memref<1x125xi32, #tpu.memory_space<vmem>>
      %dma_start3A_849 = tpu.memref_squeeze %dma_start3A_848 : memref<1x125xi32, #tpu.memory_space<vmem>> -> memref<125xi32, #tpu.memory_space<vmem>>
      %dma_start3A_850 = arith.constant 0 : i32
      %dma_start3A_851 = arith.constant 0 : i32
      %dma_start3A_852 = tpu.memref_slice %arg2[%select_n3A, %dma_start3A_850, %dma_start3A_851] : memref<4x50000x128xf32, #tpu.memory_space<hbm>> -> memref<1x50000x128xf32, #tpu.memory_space<hbm>>
      %dma_start3A_853 = tpu.memref_squeeze %dma_start3A_852 : memref<1x50000x128xf32, #tpu.memory_space<hbm>> -> memref<50000x128xf32, #tpu.memory_space<hbm>>
      %dma_start3A_854 = arith.constant 0 : i32
      %dma_start3A_855 = arith.constant 0 : i32
      %dma_start3A_856 = tpu.memref_slice %dma_start3A_853[%dma_start3A_854, %dma_start3A_855] : memref<50000x128xf32, #tpu.memory_space<hbm>> -> memref<50000x128xf32, #tpu.memory_space<hbm>>
      tpu.enqueue_indirect_dma source(%dma_start3A_856 : memref<50000x128xf32, #tpu.memory_space<hbm>>) target(%arg8 : memref<125x128xf32, #tpu.memory_space<vmem>>) offsets(%dma_start3A_849 : memref<125xi32, #tpu.memory_space<vmem>>) semaphore(%arg15 : memref<!tpu.dma_semaphore, #tpu.memory_space<semaphore_mem>>)
      %mul3A_857 = arith.constant 7 : i32
      %mul3A_858 = arith.muli %mul3A_857, %scan3A_592 : i32
      %add3A_859 = arith.constant 6 : i32
      %add3A_860 = arith.addi %mul3A_858, %add3A_859 : i32
      %dma_wait3A_861 = arith.constant 0 : i32
      %dma_wait3A_862 = arith.constant 0 : i32
      %dma_wait3A_863 = arith.constant 0 : i32
      %dma_wait3A_864 = tpu.memref_slice %arg2[%dma_wait3A_861, %dma_wait3A_862, %dma_wait3A_863] : memref<4x50000x128xf32, #tpu.memory_space<hbm>> -> memref<1x50000x128xf32, #tpu.memory_space<hbm>>
      %dma_wait3A_865 = tpu.memref_squeeze %dma_wait3A_864 : memref<1x50000x128xf32, #tpu.memory_space<hbm>> -> memref<50000x128xf32, #tpu.memory_space<hbm>>
      %dma_wait3A_866 = arith.constant 0 : i32
      %dma_wait3A_867 = arith.constant 0 : i32
      %dma_wait3A_868 = tpu.memref_slice %dma_wait3A_865[%dma_wait3A_866, %dma_wait3A_867] : memref<50000x128xf32, #tpu.memory_space<hbm>> -> memref<125x128xf32, #tpu.memory_space<hbm>>
      %dma_wait3A_869 = arith.constant 0 : i32
      %dma_wait3A_870 = arith.constant 0 : i32
      %dma_wait3A_871 = tpu.memref_slice %arg2[%dma_wait3A_861, %dma_wait3A_869, %dma_wait3A_870] : memref<4x50000x128xf32, #tpu.memory_space<hbm>> -> memref<1x50000x128xf32, #tpu.memory_space<hbm>>
      %dma_wait3A_872 = tpu.memref_squeeze %dma_wait3A_871 : memref<1x50000x128xf32, #tpu.memory_space<hbm>> -> memref<50000x128xf32, #tpu.memory_space<hbm>>
      %dma_wait3A_873 = arith.constant 0 : i32
      %dma_wait3A_874 = arith.constant 0 : i32
      %dma_wait3A_875 = tpu.memref_slice %dma_wait3A_872[%dma_wait3A_873, %dma_wait3A_874] : memref<50000x128xf32, #tpu.memory_space<hbm>> -> memref<125x128xf32, #tpu.memory_space<hbm>>
      tpu.wait_dma2 semaphore(%arg19 : memref<!tpu.dma_semaphore, #tpu.memory_space<semaphore_mem>>) src(%dma_wait3A_875 : memref<125x128xf32, #tpu.memory_space<hbm>>) dst(%arg12 : memref<125x128xf32, #tpu.memory_space<vmem>>)
      %mul3A_876 = arith.constant 125 : i32
      %mul3A_877 = arith.muli %add3A_860, %mul3A_876 : i32
      %add3A_878 = arith.addi %mul3A_2, %mul3A_877 : i32
      %dma_start3A_879 = arith.constant 0 : i32
      %dma_start3A_880 = tpu.memref_slice %arg4[%add3A_878, %dma_start3A_879] : memref<200000x128xf32, #tpu.memory_space<hbm>> -> memref<125x128xf32, #tpu.memory_space<hbm>>
      %dma_start3A_881 = arith.constant 0 : i32
      %dma_start3A_882 = tpu.memref_slice %arg4[%add3A_878, %dma_start3A_881] : memref<200000x128xf32, #tpu.memory_space<hbm>> -> memref<125x128xf32, #tpu.memory_space<hbm>>
      tpu.enqueue_dma source(%arg12 : memref<125x128xf32, #tpu.memory_space<vmem>>) target(%dma_start3A_882 : memref<125x128xf32, #tpu.memory_space<hbm>>) target_semaphore(%arg26 : memref<!tpu.dma_semaphore, #tpu.memory_space<semaphore_mem>>)
      %dma_wait3A_883 = arith.constant 0 : i32
      %dma_wait3A_884 = arith.constant 0 : i32
      %dma_wait3A_885 = tpu.memref_slice %arg4[%dma_wait3A_883, %dma_wait3A_884] : memref<200000x128xf32, #tpu.memory_space<hbm>> -> memref<125x128xf32, #tpu.memory_space<hbm>>
      %dma_wait3A_886 = arith.constant 0 : i32
      %dma_wait3A_887 = arith.constant 0 : i32
      %dma_wait3A_888 = tpu.memref_slice %arg4[%dma_wait3A_886, %dma_wait3A_887] : memref<200000x128xf32, #tpu.memory_space<hbm>> -> memref<125x128xf32, #tpu.memory_space<hbm>>
      tpu.wait_dma2 semaphore(%arg23 : memref<!tpu.dma_semaphore, #tpu.memory_space<semaphore_mem>>) src(%arg9 : memref<125x128xf32, #tpu.memory_space<vmem>>) dst(%dma_wait3A_888 : memref<125x128xf32, #tpu.memory_space<hbm>>)
      %add3A_889 = arith.constant 4 : i32
      %add3A_890 = arith.addi %add3A_860, %add3A_889 : i32
      %dma_start3A_891 = arith.constant 0 : i32
      %dma_start3A_892 = tpu.memref_slice %arg5[%add3A_890, %dma_start3A_891] : memref<50x125xi32, #tpu.memory_space<vmem>> -> memref<1x125xi32, #tpu.memory_space<vmem>>
      %dma_start3A_893 = tpu.memref_squeeze %dma_start3A_892 : memref<1x125xi32, #tpu.memory_space<vmem>> -> memref<125xi32, #tpu.memory_space<vmem>>
      %dma_start3A_894 = arith.constant 0 : i32
      %dma_start3A_895 = arith.constant 0 : i32
      %dma_start3A_896 = tpu.memref_slice %arg2[%select_n3A, %dma_start3A_894, %dma_start3A_895] : memref<4x50000x128xf32, #tpu.memory_space<hbm>> -> memref<1x50000x128xf32, #tpu.memory_space<hbm>>
      %dma_start3A_897 = tpu.memref_squeeze %dma_start3A_896 : memref<1x50000x128xf32, #tpu.memory_space<hbm>> -> memref<50000x128xf32, #tpu.memory_space<hbm>>
      %dma_start3A_898 = arith.constant 0 : i32
      %dma_start3A_899 = arith.constant 0 : i32
      %dma_start3A_900 = tpu.memref_slice %dma_start3A_897[%dma_start3A_898, %dma_start3A_899] : memref<50000x128xf32, #tpu.memory_space<hbm>> -> memref<50000x128xf32, #tpu.memory_space<hbm>>
      tpu.enqueue_indirect_dma source(%dma_start3A_900 : memref<50000x128xf32, #tpu.memory_space<hbm>>) target(%arg9 : memref<125x128xf32, #tpu.memory_space<vmem>>) offsets(%dma_start3A_893 : memref<125xi32, #tpu.memory_space<vmem>>) semaphore(%arg16 : memref<!tpu.dma_semaphore, #tpu.memory_space<semaphore_mem>>)
    }
    %scan3A_313 = arith.constant 5 : i32
    %dma_wait3A_314 = arith.constant 0 : i32
    %dma_wait3A_315 = arith.constant 0 : i32
    %dma_wait3A_316 = arith.constant 0 : i32
    %dma_wait3A_317 = tpu.memref_slice %arg2[%dma_wait3A_314, %dma_wait3A_315, %dma_wait3A_316] : memref<4x50000x128xf32, #tpu.memory_space<hbm>> -> memref<1x50000x128xf32, #tpu.memory_space<hbm>>
    %dma_wait3A_318 = tpu.memref_squeeze %dma_wait3A_317 : memref<1x50000x128xf32, #tpu.memory_space<hbm>> -> memref<50000x128xf32, #tpu.memory_space<hbm>>
    %dma_wait3A_319 = arith.constant 0 : i32
    %dma_wait3A_320 = arith.constant 0 : i32
    %dma_wait3A_321 = tpu.memref_slice %dma_wait3A_318[%dma_wait3A_319, %dma_wait3A_320] : memref<50000x128xf32, #tpu.memory_space<hbm>> -> memref<125x128xf32, #tpu.memory_space<hbm>>
    %dma_wait3A_322 = arith.constant 0 : i32
    %dma_wait3A_323 = arith.constant 0 : i32
    %dma_wait3A_324 = tpu.memref_slice %arg2[%dma_wait3A_314, %dma_wait3A_322, %dma_wait3A_323] : memref<4x50000x128xf32, #tpu.memory_space<hbm>> -> memref<1x50000x128xf32, #tpu.memory_space<hbm>>
    %dma_wait3A_325 = tpu.memref_squeeze %dma_wait3A_324 : memref<1x50000x128xf32, #tpu.memory_space<hbm>> -> memref<50000x128xf32, #tpu.memory_space<hbm>>
    %dma_wait3A_326 = arith.constant 0 : i32
    %dma_wait3A_327 = arith.constant 0 : i32
    %dma_wait3A_328 = tpu.memref_slice %dma_wait3A_325[%dma_wait3A_326, %dma_wait3A_327] : memref<50000x128xf32, #tpu.memory_space<hbm>> -> memref<125x128xf32, #tpu.memory_space<hbm>>
    tpu.wait_dma2 semaphore(%arg13 : memref<!tpu.dma_semaphore, #tpu.memory_space<semaphore_mem>>) src(%dma_wait3A_328 : memref<125x128xf32, #tpu.memory_space<hbm>>) dst(%arg6 : memref<125x128xf32, #tpu.memory_space<vmem>>)
    %add3A_329 = arith.constant 5250 : i32
    %add3A_330 = arith.addi %mul3A_2, %add3A_329 : i32
    %dma_start3A_331 = arith.constant 0 : i32
    %dma_start3A_332 = tpu.memref_slice %arg4[%add3A_330, %dma_start3A_331] : memref<200000x128xf32, #tpu.memory_space<hbm>> -> memref<125x128xf32, #tpu.memory_space<hbm>>
    %dma_start3A_333 = arith.constant 0 : i32
    %dma_start3A_334 = tpu.memref_slice %arg4[%add3A_330, %dma_start3A_333] : memref<200000x128xf32, #tpu.memory_space<hbm>> -> memref<125x128xf32, #tpu.memory_space<hbm>>
    tpu.enqueue_dma source(%arg6 : memref<125x128xf32, #tpu.memory_space<vmem>>) target(%dma_start3A_334 : memref<125x128xf32, #tpu.memory_space<hbm>>) target_semaphore(%arg20 : memref<!tpu.dma_semaphore, #tpu.memory_space<semaphore_mem>>)
    %dma_wait3A_335 = arith.constant 0 : i32
    %dma_wait3A_336 = arith.constant 0 : i32
    %dma_wait3A_337 = tpu.memref_slice %arg4[%dma_wait3A_335, %dma_wait3A_336] : memref<200000x128xf32, #tpu.memory_space<hbm>> -> memref<125x128xf32, #tpu.memory_space<hbm>>
    %dma_wait3A_338 = arith.constant 0 : i32
    %dma_wait3A_339 = arith.constant 0 : i32
    %dma_wait3A_340 = tpu.memref_slice %arg4[%dma_wait3A_338, %dma_wait3A_339] : memref<200000x128xf32, #tpu.memory_space<hbm>> -> memref<125x128xf32, #tpu.memory_space<hbm>>
    tpu.wait_dma2 semaphore(%arg24 : memref<!tpu.dma_semaphore, #tpu.memory_space<semaphore_mem>>) src(%arg10 : memref<125x128xf32, #tpu.memory_space<vmem>>) dst(%dma_wait3A_340 : memref<125x128xf32, #tpu.memory_space<hbm>>)
    %dma_start3A_341 = arith.constant 46 : i32
    %dma_start3A_342 = arith.constant 0 : i32
    %dma_start3A_343 = tpu.memref_slice %arg5[%dma_start3A_341, %dma_start3A_342] : memref<50x125xi32, #tpu.memory_space<vmem>> -> memref<1x125xi32, #tpu.memory_space<vmem>>
    %dma_start3A_344 = tpu.memref_squeeze %dma_start3A_343 : memref<1x125xi32, #tpu.memory_space<vmem>> -> memref<125xi32, #tpu.memory_space<vmem>>
    %dma_start3A_345 = arith.constant 0 : i32
    %dma_start3A_346 = arith.constant 0 : i32
    %dma_start3A_347 = tpu.memref_slice %arg2[%select_n3A, %dma_start3A_345, %dma_start3A_346] : memref<4x50000x128xf32, #tpu.memory_space<hbm>> -> memref<1x50000x128xf32, #tpu.memory_space<hbm>>
    %dma_start3A_348 = tpu.memref_squeeze %dma_start3A_347 : memref<1x50000x128xf32, #tpu.memory_space<hbm>> -> memref<50000x128xf32, #tpu.memory_space<hbm>>
    %dma_start3A_349 = arith.constant 0 : i32
    %dma_start3A_350 = arith.constant 0 : i32
    %dma_start3A_351 = tpu.memref_slice %dma_start3A_348[%dma_start3A_349, %dma_start3A_350] : memref<50000x128xf32, #tpu.memory_space<hbm>> -> memref<50000x128xf32, #tpu.memory_space<hbm>>
    tpu.enqueue_indirect_dma source(%dma_start3A_351 : memref<50000x128xf32, #tpu.memory_space<hbm>>) target(%arg10 : memref<125x128xf32, #tpu.memory_space<vmem>>) offsets(%dma_start3A_344 : memref<125xi32, #tpu.memory_space<vmem>>) semaphore(%arg17 : memref<!tpu.dma_semaphore, #tpu.memory_space<semaphore_mem>>)
    %dma_wait3A_352 = arith.constant 0 : i32
    %dma_wait3A_353 = arith.constant 0 : i32
    %dma_wait3A_354 = arith.constant 0 : i32
    %dma_wait3A_355 = tpu.memref_slice %arg2[%dma_wait3A_352, %dma_wait3A_353, %dma_wait3A_354] : memref<4x50000x128xf32, #tpu.memory_space<hbm>> -> memref<1x50000x128xf32, #tpu.memory_space<hbm>>
    %dma_wait3A_356 = tpu.memref_squeeze %dma_wait3A_355 : memref<1x50000x128xf32, #tpu.memory_space<hbm>> -> memref<50000x128xf32, #tpu.memory_space<hbm>>
    %dma_wait3A_357 = arith.constant 0 : i32
    %dma_wait3A_358 = arith.constant 0 : i32
    %dma_wait3A_359 = tpu.memref_slice %dma_wait3A_356[%dma_wait3A_357, %dma_wait3A_358] : memref<50000x128xf32, #tpu.memory_space<hbm>> -> memref<125x128xf32, #tpu.memory_space<hbm>>
    %dma_wait3A_360 = arith.constant 0 : i32
    %dma_wait3A_361 = arith.constant 0 : i32
    %dma_wait3A_362 = tpu.memref_slice %arg2[%dma_wait3A_352, %dma_wait3A_360, %dma_wait3A_361] : memref<4x50000x128xf32, #tpu.memory_space<hbm>> -> memref<1x50000x128xf32, #tpu.memory_space<hbm>>
    %dma_wait3A_363 = tpu.memref_squeeze %dma_wait3A_362 : memref<1x50000x128xf32, #tpu.memory_space<hbm>> -> memref<50000x128xf32, #tpu.memory_space<hbm>>
    %dma_wait3A_364 = arith.constant 0 : i32
    %dma_wait3A_365 = arith.constant 0 : i32
    %dma_wait3A_366 = tpu.memref_slice %dma_wait3A_363[%dma_wait3A_364, %dma_wait3A_365] : memref<50000x128xf32, #tpu.memory_space<hbm>> -> memref<125x128xf32, #tpu.memory_space<hbm>>
    tpu.wait_dma2 semaphore(%arg14 : memref<!tpu.dma_semaphore, #tpu.memory_space<semaphore_mem>>) src(%dma_wait3A_366 : memref<125x128xf32, #tpu.memory_space<hbm>>) dst(%arg7 : memref<125x128xf32, #tpu.memory_space<vmem>>)
    %add3A_367 = arith.constant 5375 : i32
    %add3A_368 = arith.addi %mul3A_2, %add3A_367 : i32
    %dma_start3A_369 = arith.constant 0 : i32
    %dma_start3A_370 = tpu.memref_slice %arg4[%add3A_368, %dma_start3A_369] : memref<200000x128xf32, #tpu.memory_space<hbm>> -> memref<125x128xf32, #tpu.memory_space<hbm>>
    %dma_start3A_371 = arith.constant 0 : i32
    %dma_start3A_372 = tpu.memref_slice %arg4[%add3A_368, %dma_start3A_371] : memref<200000x128xf32, #tpu.memory_space<hbm>> -> memref<125x128xf32, #tpu.memory_space<hbm>>
    tpu.enqueue_dma source(%arg7 : memref<125x128xf32, #tpu.memory_space<vmem>>) target(%dma_start3A_372 : memref<125x128xf32, #tpu.memory_space<hbm>>) target_semaphore(%arg21 : memref<!tpu.dma_semaphore, #tpu.memory_space<semaphore_mem>>)
    %dma_wait3A_373 = arith.constant 0 : i32
    %dma_wait3A_374 = arith.constant 0 : i32
    %dma_wait3A_375 = tpu.memref_slice %arg4[%dma_wait3A_373, %dma_wait3A_374] : memref<200000x128xf32, #tpu.memory_space<hbm>> -> memref<125x128xf32, #tpu.memory_space<hbm>>
    %dma_wait3A_376 = arith.constant 0 : i32
    %dma_wait3A_377 = arith.constant 0 : i32
    %dma_wait3A_378 = tpu.memref_slice %arg4[%dma_wait3A_376, %dma_wait3A_377] : memref<200000x128xf32, #tpu.memory_space<hbm>> -> memref<125x128xf32, #tpu.memory_space<hbm>>
    tpu.wait_dma2 semaphore(%arg25 : memref<!tpu.dma_semaphore, #tpu.memory_space<semaphore_mem>>) src(%arg11 : memref<125x128xf32, #tpu.memory_space<vmem>>) dst(%dma_wait3A_378 : memref<125x128xf32, #tpu.memory_space<hbm>>)
    %dma_start3A_379 = arith.constant 47 : i32
    %dma_start3A_380 = arith.constant 0 : i32
    %dma_start3A_381 = tpu.memref_slice %arg5[%dma_start3A_379, %dma_start3A_380] : memref<50x125xi32, #tpu.memory_space<vmem>> -> memref<1x125xi32, #tpu.memory_space<vmem>>
    %dma_start3A_382 = tpu.memref_squeeze %dma_start3A_381 : memref<1x125xi32, #tpu.memory_space<vmem>> -> memref<125xi32, #tpu.memory_space<vmem>>
    %dma_start3A_383 = arith.constant 0 : i32
    %dma_start3A_384 = arith.constant 0 : i32
    %dma_start3A_385 = tpu.memref_slice %arg2[%select_n3A, %dma_start3A_383, %dma_start3A_384] : memref<4x50000x128xf32, #tpu.memory_space<hbm>> -> memref<1x50000x128xf32, #tpu.memory_space<hbm>>
    %dma_start3A_386 = tpu.memref_squeeze %dma_start3A_385 : memref<1x50000x128xf32, #tpu.memory_space<hbm>> -> memref<50000x128xf32, #tpu.memory_space<hbm>>
    %dma_start3A_387 = arith.constant 0 : i32
    %dma_start3A_388 = arith.constant 0 : i32
    %dma_start3A_389 = tpu.memref_slice %dma_start3A_386[%dma_start3A_387, %dma_start3A_388] : memref<50000x128xf32, #tpu.memory_space<hbm>> -> memref<50000x128xf32, #tpu.memory_space<hbm>>
    tpu.enqueue_indirect_dma source(%dma_start3A_389 : memref<50000x128xf32, #tpu.memory_space<hbm>>) target(%arg11 : memref<125x128xf32, #tpu.memory_space<vmem>>) offsets(%dma_start3A_382 : memref<125xi32, #tpu.memory_space<vmem>>) semaphore(%arg18 : memref<!tpu.dma_semaphore, #tpu.memory_space<semaphore_mem>>)
    %dma_wait3A_390 = arith.constant 0 : i32
    %dma_wait3A_391 = arith.constant 0 : i32
    %dma_wait3A_392 = arith.constant 0 : i32
    %dma_wait3A_393 = tpu.memref_slice %arg2[%dma_wait3A_390, %dma_wait3A_391, %dma_wait3A_392] : memref<4x50000x128xf32, #tpu.memory_space<hbm>> -> memref<1x50000x128xf32, #tpu.memory_space<hbm>>
    %dma_wait3A_394 = tpu.memref_squeeze %dma_wait3A_393 : memref<1x50000x128xf32, #tpu.memory_space<hbm>> -> memref<50000x128xf32, #tpu.memory_space<hbm>>
    %dma_wait3A_395 = arith.constant 0 : i32
    %dma_wait3A_396 = arith.constant 0 : i32
    %dma_wait3A_397 = tpu.memref_slice %dma_wait3A_394[%dma_wait3A_395, %dma_wait3A_396] : memref<50000x128xf32, #tpu.memory_space<hbm>> -> memref<125x128xf32, #tpu.memory_space<hbm>>
    %dma_wait3A_398 = arith.constant 0 : i32
    %dma_wait3A_399 = arith.constant 0 : i32
    %dma_wait3A_400 = tpu.memref_slice %arg2[%dma_wait3A_390, %dma_wait3A_398, %dma_wait3A_399] : memref<4x50000x128xf32, #tpu.memory_space<hbm>> -> memref<1x50000x128xf32, #tpu.memory_space<hbm>>
    %dma_wait3A_401 = tpu.memref_squeeze %dma_wait3A_400 : memref<1x50000x128xf32, #tpu.memory_space<hbm>> -> memref<50000x128xf32, #tpu.memory_space<hbm>>
    %dma_wait3A_402 = arith.constant 0 : i32
    %dma_wait3A_403 = arith.constant 0 : i32
    %dma_wait3A_404 = tpu.memref_slice %dma_wait3A_401[%dma_wait3A_402, %dma_wait3A_403] : memref<50000x128xf32, #tpu.memory_space<hbm>> -> memref<125x128xf32, #tpu.memory_space<hbm>>
    tpu.wait_dma2 semaphore(%arg15 : memref<!tpu.dma_semaphore, #tpu.memory_space<semaphore_mem>>) src(%dma_wait3A_404 : memref<125x128xf32, #tpu.memory_space<hbm>>) dst(%arg8 : memref<125x128xf32, #tpu.memory_space<vmem>>)
    %add3A_405 = arith.constant 5500 : i32
    %add3A_406 = arith.addi %mul3A_2, %add3A_405 : i32
    %dma_start3A_407 = arith.constant 0 : i32
    %dma_start3A_408 = tpu.memref_slice %arg4[%add3A_406, %dma_start3A_407] : memref<200000x128xf32, #tpu.memory_space<hbm>> -> memref<125x128xf32, #tpu.memory_space<hbm>>
    %dma_start3A_409 = arith.constant 0 : i32
    %dma_start3A_410 = tpu.memref_slice %arg4[%add3A_406, %dma_start3A_409] : memref<200000x128xf32, #tpu.memory_space<hbm>> -> memref<125x128xf32, #tpu.memory_space<hbm>>
    tpu.enqueue_dma source(%arg8 : memref<125x128xf32, #tpu.memory_space<vmem>>) target(%dma_start3A_410 : memref<125x128xf32, #tpu.memory_space<hbm>>) target_semaphore(%arg22 : memref<!tpu.dma_semaphore, #tpu.memory_space<semaphore_mem>>)
    %dma_wait3A_411 = arith.constant 0 : i32
    %dma_wait3A_412 = arith.constant 0 : i32
    %dma_wait3A_413 = tpu.memref_slice %arg4[%dma_wait3A_411, %dma_wait3A_412] : memref<200000x128xf32, #tpu.memory_space<hbm>> -> memref<125x128xf32, #tpu.memory_space<hbm>>
    %dma_wait3A_414 = arith.constant 0 : i32
    %dma_wait3A_415 = arith.constant 0 : i32
    %dma_wait3A_416 = tpu.memref_slice %arg4[%dma_wait3A_414, %dma_wait3A_415] : memref<200000x128xf32, #tpu.memory_space<hbm>> -> memref<125x128xf32, #tpu.memory_space<hbm>>
    tpu.wait_dma2 semaphore(%arg26 : memref<!tpu.dma_semaphore, #tpu.memory_space<semaphore_mem>>) src(%arg12 : memref<125x128xf32, #tpu.memory_space<vmem>>) dst(%dma_wait3A_416 : memref<125x128xf32, #tpu.memory_space<hbm>>)
    %dma_start3A_417 = arith.constant 48 : i32
    %dma_start3A_418 = arith.constant 0 : i32
    %dma_start3A_419 = tpu.memref_slice %arg5[%dma_start3A_417, %dma_start3A_418] : memref<50x125xi32, #tpu.memory_space<vmem>> -> memref<1x125xi32, #tpu.memory_space<vmem>>
    %dma_start3A_420 = tpu.memref_squeeze %dma_start3A_419 : memref<1x125xi32, #tpu.memory_space<vmem>> -> memref<125xi32, #tpu.memory_space<vmem>>
    %dma_start3A_421 = arith.constant 0 : i32
    %dma_start3A_422 = arith.constant 0 : i32
    %dma_start3A_423 = tpu.memref_slice %arg2[%select_n3A, %dma_start3A_421, %dma_start3A_422] : memref<4x50000x128xf32, #tpu.memory_space<hbm>> -> memref<1x50000x128xf32, #tpu.memory_space<hbm>>
    %dma_start3A_424 = tpu.memref_squeeze %dma_start3A_423 : memref<1x50000x128xf32, #tpu.memory_space<hbm>> -> memref<50000x128xf32, #tpu.memory_space<hbm>>
    %dma_start3A_425 = arith.constant 0 : i32
    %dma_start3A_426 = arith.constant 0 : i32
    %dma_start3A_427 = tpu.memref_slice %dma_start3A_424[%dma_start3A_425, %dma_start3A_426] : memref<50000x128xf32, #tpu.memory_space<hbm>> -> memref<50000x128xf32, #tpu.memory_space<hbm>>
    tpu.enqueue_indirect_dma source(%dma_start3A_427 : memref<50000x128xf32, #tpu.memory_space<hbm>>) target(%arg12 : memref<125x128xf32, #tpu.memory_space<vmem>>) offsets(%dma_start3A_420 : memref<125xi32, #tpu.memory_space<vmem>>) semaphore(%arg19 : memref<!tpu.dma_semaphore, #tpu.memory_space<semaphore_mem>>)
    %dma_wait3A_428 = arith.constant 0 : i32
    %dma_wait3A_429 = arith.constant 0 : i32
    %dma_wait3A_430 = arith.constant 0 : i32
    %dma_wait3A_431 = tpu.memref_slice %arg2[%dma_wait3A_428, %dma_wait3A_429, %dma_wait3A_430] : memref<4x50000x128xf32, #tpu.memory_space<hbm>> -> memref<1x50000x128xf32, #tpu.memory_space<hbm>>
    %dma_wait3A_432 = tpu.memref_squeeze %dma_wait3A_431 : memref<1x50000x128xf32, #tpu.memory_space<hbm>> -> memref<50000x128xf32, #tpu.memory_space<hbm>>
    %dma_wait3A_433 = arith.constant 0 : i32
    %dma_wait3A_434 = arith.constant 0 : i32
    %dma_wait3A_435 = tpu.memref_slice %dma_wait3A_432[%dma_wait3A_433, %dma_wait3A_434] : memref<50000x128xf32, #tpu.memory_space<hbm>> -> memref<125x128xf32, #tpu.memory_space<hbm>>
    %dma_wait3A_436 = arith.constant 0 : i32
    %dma_wait3A_437 = arith.constant 0 : i32
    %dma_wait3A_438 = tpu.memref_slice %arg2[%dma_wait3A_428, %dma_wait3A_436, %dma_wait3A_437] : memref<4x50000x128xf32, #tpu.memory_space<hbm>> -> memref<1x50000x128xf32, #tpu.memory_space<hbm>>
    %dma_wait3A_439 = tpu.memref_squeeze %dma_wait3A_438 : memref<1x50000x128xf32, #tpu.memory_space<hbm>> -> memref<50000x128xf32, #tpu.memory_space<hbm>>
    %dma_wait3A_440 = arith.constant 0 : i32
    %dma_wait3A_441 = arith.constant 0 : i32
    %dma_wait3A_442 = tpu.memref_slice %dma_wait3A_439[%dma_wait3A_440, %dma_wait3A_441] : memref<50000x128xf32, #tpu.memory_space<hbm>> -> memref<125x128xf32, #tpu.memory_space<hbm>>
    tpu.wait_dma2 semaphore(%arg16 : memref<!tpu.dma_semaphore, #tpu.memory_space<semaphore_mem>>) src(%dma_wait3A_442 : memref<125x128xf32, #tpu.memory_space<hbm>>) dst(%arg9 : memref<125x128xf32, #tpu.memory_space<vmem>>)
    %add3A_443 = arith.constant 5625 : i32
    %add3A_444 = arith.addi %mul3A_2, %add3A_443 : i32
    %dma_start3A_445 = arith.constant 0 : i32
    %dma_start3A_446 = tpu.memref_slice %arg4[%add3A_444, %dma_start3A_445] : memref<200000x128xf32, #tpu.memory_space<hbm>> -> memref<125x128xf32, #tpu.memory_space<hbm>>
    %dma_start3A_447 = arith.constant 0 : i32
    %dma_start3A_448 = tpu.memref_slice %arg4[%add3A_444, %dma_start3A_447] : memref<200000x128xf32, #tpu.memory_space<hbm>> -> memref<125x128xf32, #tpu.memory_space<hbm>>
    tpu.enqueue_dma source(%arg9 : memref<125x128xf32, #tpu.memory_space<vmem>>) target(%dma_start3A_448 : memref<125x128xf32, #tpu.memory_space<hbm>>) target_semaphore(%arg23 : memref<!tpu.dma_semaphore, #tpu.memory_space<semaphore_mem>>)
    %dma_wait3A_449 = arith.constant 0 : i32
    %dma_wait3A_450 = arith.constant 0 : i32
    %dma_wait3A_451 = tpu.memref_slice %arg4[%dma_wait3A_449, %dma_wait3A_450] : memref<200000x128xf32, #tpu.memory_space<hbm>> -> memref<125x128xf32, #tpu.memory_space<hbm>>
    %dma_wait3A_452 = arith.constant 0 : i32
    %dma_wait3A_453 = arith.constant 0 : i32
    %dma_wait3A_454 = tpu.memref_slice %arg4[%dma_wait3A_452, %dma_wait3A_453] : memref<200000x128xf32, #tpu.memory_space<hbm>> -> memref<125x128xf32, #tpu.memory_space<hbm>>
    tpu.wait_dma2 semaphore(%arg20 : memref<!tpu.dma_semaphore, #tpu.memory_space<semaphore_mem>>) src(%arg6 : memref<125x128xf32, #tpu.memory_space<vmem>>) dst(%dma_wait3A_454 : memref<125x128xf32, #tpu.memory_space<hbm>>)
    %dma_start3A_455 = arith.constant 49 : i32
    %dma_start3A_456 = arith.constant 0 : i32
    %dma_start3A_457 = tpu.memref_slice %arg5[%dma_start3A_455, %dma_start3A_456] : memref<50x125xi32, #tpu.memory_space<vmem>> -> memref<1x125xi32, #tpu.memory_space<vmem>>
    %dma_start3A_458 = tpu.memref_squeeze %dma_start3A_457 : memref<1x125xi32, #tpu.memory_space<vmem>> -> memref<125xi32, #tpu.memory_space<vmem>>
    %dma_start3A_459 = arith.constant 0 : i32
    %dma_start3A_460 = arith.constant 0 : i32
    %dma_start3A_461 = tpu.memref_slice %arg2[%select_n3A, %dma_start3A_459, %dma_start3A_460] : memref<4x50000x128xf32, #tpu.memory_space<hbm>> -> memref<1x50000x128xf32, #tpu.memory_space<hbm>>
    %dma_start3A_462 = tpu.memref_squeeze %dma_start3A_461 : memref<1x50000x128xf32, #tpu.memory_space<hbm>> -> memref<50000x128xf32, #tpu.memory_space<hbm>>
    %dma_start3A_463 = arith.constant 0 : i32
    %dma_start3A_464 = arith.constant 0 : i32
    %dma_start3A_465 = tpu.memref_slice %dma_start3A_462[%dma_start3A_463, %dma_start3A_464] : memref<50000x128xf32, #tpu.memory_space<hbm>> -> memref<50000x128xf32, #tpu.memory_space<hbm>>
    tpu.enqueue_indirect_dma source(%dma_start3A_465 : memref<50000x128xf32, #tpu.memory_space<hbm>>) target(%arg6 : memref<125x128xf32, #tpu.memory_space<vmem>>) offsets(%dma_start3A_458 : memref<125xi32, #tpu.memory_space<vmem>>) semaphore(%arg13 : memref<!tpu.dma_semaphore, #tpu.memory_space<semaphore_mem>>)
    %dma_wait3A_466 = arith.constant 0 : i32
    %dma_wait3A_467 = arith.constant 0 : i32
    %dma_wait3A_468 = arith.constant 0 : i32
    %dma_wait3A_469 = tpu.memref_slice %arg2[%dma_wait3A_466, %dma_wait3A_467, %dma_wait3A_468] : memref<4x50000x128xf32, #tpu.memory_space<hbm>> -> memref<1x50000x128xf32, #tpu.memory_space<hbm>>
    %dma_wait3A_470 = tpu.memref_squeeze %dma_wait3A_469 : memref<1x50000x128xf32, #tpu.memory_space<hbm>> -> memref<50000x128xf32, #tpu.memory_space<hbm>>
    %dma_wait3A_471 = arith.constant 0 : i32
    %dma_wait3A_472 = arith.constant 0 : i32
    %dma_wait3A_473 = tpu.memref_slice %dma_wait3A_470[%dma_wait3A_471, %dma_wait3A_472] : memref<50000x128xf32, #tpu.memory_space<hbm>> -> memref<125x128xf32, #tpu.memory_space<hbm>>
    %dma_wait3A_474 = arith.constant 0 : i32
    %dma_wait3A_475 = arith.constant 0 : i32
    %dma_wait3A_476 = tpu.memref_slice %arg2[%dma_wait3A_466, %dma_wait3A_474, %dma_wait3A_475] : memref<4x50000x128xf32, #tpu.memory_space<hbm>> -> memref<1x50000x128xf32, #tpu.memory_space<hbm>>
    %dma_wait3A_477 = tpu.memref_squeeze %dma_wait3A_476 : memref<1x50000x128xf32, #tpu.memory_space<hbm>> -> memref<50000x128xf32, #tpu.memory_space<hbm>>
    %dma_wait3A_478 = arith.constant 0 : i32
    %dma_wait3A_479 = arith.constant 0 : i32
    %dma_wait3A_480 = tpu.memref_slice %dma_wait3A_477[%dma_wait3A_478, %dma_wait3A_479] : memref<50000x128xf32, #tpu.memory_space<hbm>> -> memref<125x128xf32, #tpu.memory_space<hbm>>
    tpu.wait_dma2 semaphore(%arg17 : memref<!tpu.dma_semaphore, #tpu.memory_space<semaphore_mem>>) src(%dma_wait3A_480 : memref<125x128xf32, #tpu.memory_space<hbm>>) dst(%arg10 : memref<125x128xf32, #tpu.memory_space<vmem>>)
    %add3A_481 = arith.constant 5750 : i32
    %add3A_482 = arith.addi %mul3A_2, %add3A_481 : i32
    %dma_start3A_483 = arith.constant 0 : i32
    %dma_start3A_484 = tpu.memref_slice %arg4[%add3A_482, %dma_start3A_483] : memref<200000x128xf32, #tpu.memory_space<hbm>> -> memref<125x128xf32, #tpu.memory_space<hbm>>
    %dma_start3A_485 = arith.constant 0 : i32
    %dma_start3A_486 = tpu.memref_slice %arg4[%add3A_482, %dma_start3A_485] : memref<200000x128xf32, #tpu.memory_space<hbm>> -> memref<125x128xf32, #tpu.memory_space<hbm>>
    tpu.enqueue_dma source(%arg10 : memref<125x128xf32, #tpu.memory_space<vmem>>) target(%dma_start3A_486 : memref<125x128xf32, #tpu.memory_space<hbm>>) target_semaphore(%arg24 : memref<!tpu.dma_semaphore, #tpu.memory_space<semaphore_mem>>)
    %dma_wait3A_487 = arith.constant 0 : i32
    %dma_wait3A_488 = arith.constant 0 : i32
    %dma_wait3A_489 = arith.constant 0 : i32
    %dma_wait3A_490 = tpu.memref_slice %arg2[%dma_wait3A_487, %dma_wait3A_488, %dma_wait3A_489] : memref<4x50000x128xf32, #tpu.memory_space<hbm>> -> memref<1x50000x128xf32, #tpu.memory_space<hbm>>
    %dma_wait3A_491 = tpu.memref_squeeze %dma_wait3A_490 : memref<1x50000x128xf32, #tpu.memory_space<hbm>> -> memref<50000x128xf32, #tpu.memory_space<hbm>>
    %dma_wait3A_492 = arith.constant 0 : i32
    %dma_wait3A_493 = arith.constant 0 : i32
    %dma_wait3A_494 = tpu.memref_slice %dma_wait3A_491[%dma_wait3A_492, %dma_wait3A_493] : memref<50000x128xf32, #tpu.memory_space<hbm>> -> memref<125x128xf32, #tpu.memory_space<hbm>>
    %dma_wait3A_495 = arith.constant 0 : i32
    %dma_wait3A_496 = arith.constant 0 : i32
    %dma_wait3A_497 = tpu.memref_slice %arg2[%dma_wait3A_487, %dma_wait3A_495, %dma_wait3A_496] : memref<4x50000x128xf32, #tpu.memory_space<hbm>> -> memref<1x50000x128xf32, #tpu.memory_space<hbm>>
    %dma_wait3A_498 = tpu.memref_squeeze %dma_wait3A_497 : memref<1x50000x128xf32, #tpu.memory_space<hbm>> -> memref<50000x128xf32, #tpu.memory_space<hbm>>
    %dma_wait3A_499 = arith.constant 0 : i32
    %dma_wait3A_500 = arith.constant 0 : i32
    %dma_wait3A_501 = tpu.memref_slice %dma_wait3A_498[%dma_wait3A_499, %dma_wait3A_500] : memref<50000x128xf32, #tpu.memory_space<hbm>> -> memref<125x128xf32, #tpu.memory_space<hbm>>
    tpu.wait_dma2 semaphore(%arg18 : memref<!tpu.dma_semaphore, #tpu.memory_space<semaphore_mem>>) src(%dma_wait3A_501 : memref<125x128xf32, #tpu.memory_space<hbm>>) dst(%arg11 : memref<125x128xf32, #tpu.memory_space<vmem>>)
    %add3A_502 = arith.constant 5875 : i32
    %add3A_503 = arith.addi %mul3A_2, %add3A_502 : i32
    %dma_start3A_504 = arith.constant 0 : i32
    %dma_start3A_505 = tpu.memref_slice %arg4[%add3A_503, %dma_start3A_504] : memref<200000x128xf32, #tpu.memory_space<hbm>> -> memref<125x128xf32, #tpu.memory_space<hbm>>
    %dma_start3A_506 = arith.constant 0 : i32
    %dma_start3A_507 = tpu.memref_slice %arg4[%add3A_503, %dma_start3A_506] : memref<200000x128xf32, #tpu.memory_space<hbm>> -> memref<125x128xf32, #tpu.memory_space<hbm>>
    tpu.enqueue_dma source(%arg11 : memref<125x128xf32, #tpu.memory_space<vmem>>) target(%dma_start3A_507 : memref<125x128xf32, #tpu.memory_space<hbm>>) target_semaphore(%arg25 : memref<!tpu.dma_semaphore, #tpu.memory_space<semaphore_mem>>)
    %dma_wait3A_508 = arith.constant 0 : i32
    %dma_wait3A_509 = arith.constant 0 : i32
    %dma_wait3A_510 = arith.constant 0 : i32
    %dma_wait3A_511 = tpu.memref_slice %arg2[%dma_wait3A_508, %dma_wait3A_509, %dma_wait3A_510] : memref<4x50000x128xf32, #tpu.memory_space<hbm>> -> memref<1x50000x128xf32, #tpu.memory_space<hbm>>
    %dma_wait3A_512 = tpu.memref_squeeze %dma_wait3A_511 : memref<1x50000x128xf32, #tpu.memory_space<hbm>> -> memref<50000x128xf32, #tpu.memory_space<hbm>>
    %dma_wait3A_513 = arith.constant 0 : i32
    %dma_wait3A_514 = arith.constant 0 : i32
    %dma_wait3A_515 = tpu.memref_slice %dma_wait3A_512[%dma_wait3A_513, %dma_wait3A_514] : memref<50000x128xf32, #tpu.memory_space<hbm>> -> memref<125x128xf32, #tpu.memory_space<hbm>>
    %dma_wait3A_516 = arith.constant 0 : i32
    %dma_wait3A_517 = arith.constant 0 : i32
    %dma_wait3A_518 = tpu.memref_slice %arg2[%dma_wait3A_508, %dma_wait3A_516, %dma_wait3A_517] : memref<4x50000x128xf32, #tpu.memory_space<hbm>> -> memref<1x50000x128xf32, #tpu.memory_space<hbm>>
    %dma_wait3A_519 = tpu.memref_squeeze %dma_wait3A_518 : memref<1x50000x128xf32, #tpu.memory_space<hbm>> -> memref<50000x128xf32, #tpu.memory_space<hbm>>
    %dma_wait3A_520 = arith.constant 0 : i32
    %dma_wait3A_521 = arith.constant 0 : i32
    %dma_wait3A_522 = tpu.memref_slice %dma_wait3A_519[%dma_wait3A_520, %dma_wait3A_521] : memref<50000x128xf32, #tpu.memory_space<hbm>> -> memref<125x128xf32, #tpu.memory_space<hbm>>
    tpu.wait_dma2 semaphore(%arg19 : memref<!tpu.dma_semaphore, #tpu.memory_space<semaphore_mem>>) src(%dma_wait3A_522 : memref<125x128xf32, #tpu.memory_space<hbm>>) dst(%arg12 : memref<125x128xf32, #tpu.memory_space<vmem>>)
    %add3A_523 = arith.constant 6000 : i32
    %add3A_524 = arith.addi %mul3A_2, %add3A_523 : i32
    %dma_start3A_525 = arith.constant 0 : i32
    %dma_start3A_526 = tpu.memref_slice %arg4[%add3A_524, %dma_start3A_525] : memref<200000x128xf32, #tpu.memory_space<hbm>> -> memref<125x128xf32, #tpu.memory_space<hbm>>
    %dma_start3A_527 = arith.constant 0 : i32
    %dma_start3A_528 = tpu.memref_slice %arg4[%add3A_524, %dma_start3A_527] : memref<200000x128xf32, #tpu.memory_space<hbm>> -> memref<125x128xf32, #tpu.memory_space<hbm>>
    tpu.enqueue_dma source(%arg12 : memref<125x128xf32, #tpu.memory_space<vmem>>) target(%dma_start3A_528 : memref<125x128xf32, #tpu.memory_space<hbm>>) target_semaphore(%arg26 : memref<!tpu.dma_semaphore, #tpu.memory_space<semaphore_mem>>)
    %dma_wait3A_529 = arith.constant 0 : i32
    %dma_wait3A_530 = arith.constant 0 : i32
    %dma_wait3A_531 = arith.constant 0 : i32
    %dma_wait3A_532 = tpu.memref_slice %arg2[%dma_wait3A_529, %dma_wait3A_530, %dma_wait3A_531] : memref<4x50000x128xf32, #tpu.memory_space<hbm>> -> memref<1x50000x128xf32, #tpu.memory_space<hbm>>
    %dma_wait3A_533 = tpu.memref_squeeze %dma_wait3A_532 : memref<1x50000x128xf32, #tpu.memory_space<hbm>> -> memref<50000x128xf32, #tpu.memory_space<hbm>>
    %dma_wait3A_534 = arith.constant 0 : i32
    %dma_wait3A_535 = arith.constant 0 : i32
    %dma_wait3A_536 = tpu.memref_slice %dma_wait3A_533[%dma_wait3A_534, %dma_wait3A_535] : memref<50000x128xf32, #tpu.memory_space<hbm>> -> memref<125x128xf32, #tpu.memory_space<hbm>>
    %dma_wait3A_537 = arith.constant 0 : i32
    %dma_wait3A_538 = arith.constant 0 : i32
    %dma_wait3A_539 = tpu.memref_slice %arg2[%dma_wait3A_529, %dma_wait3A_537, %dma_wait3A_538] : memref<4x50000x128xf32, #tpu.memory_space<hbm>> -> memref<1x50000x128xf32, #tpu.memory_space<hbm>>
    %dma_wait3A_540 = tpu.memref_squeeze %dma_wait3A_539 : memref<1x50000x128xf32, #tpu.memory_space<hbm>> -> memref<50000x128xf32, #tpu.memory_space<hbm>>
    %dma_wait3A_541 = arith.constant 0 : i32
    %dma_wait3A_542 = arith.constant 0 : i32
    %dma_wait3A_543 = tpu.memref_slice %dma_wait3A_540[%dma_wait3A_541, %dma_wait3A_542] : memref<50000x128xf32, #tpu.memory_space<hbm>> -> memref<125x128xf32, #tpu.memory_space<hbm>>
    tpu.wait_dma2 semaphore(%arg13 : memref<!tpu.dma_semaphore, #tpu.memory_space<semaphore_mem>>) src(%dma_wait3A_543 : memref<125x128xf32, #tpu.memory_space<hbm>>) dst(%arg6 : memref<125x128xf32, #tpu.memory_space<vmem>>)
    %add3A_544 = arith.constant 6125 : i32
    %add3A_545 = arith.addi %mul3A_2, %add3A_544 : i32
    %dma_start3A_546 = arith.constant 0 : i32
    %dma_start3A_547 = tpu.memref_slice %arg4[%add3A_545, %dma_start3A_546] : memref<200000x128xf32, #tpu.memory_space<hbm>> -> memref<125x128xf32, #tpu.memory_space<hbm>>
    %dma_start3A_548 = arith.constant 0 : i32
    %dma_start3A_549 = tpu.memref_slice %arg4[%add3A_545, %dma_start3A_548] : memref<200000x128xf32, #tpu.memory_space<hbm>> -> memref<125x128xf32, #tpu.memory_space<hbm>>
    tpu.enqueue_dma source(%arg6 : memref<125x128xf32, #tpu.memory_space<vmem>>) target(%dma_start3A_549 : memref<125x128xf32, #tpu.memory_space<hbm>>) target_semaphore(%arg20 : memref<!tpu.dma_semaphore, #tpu.memory_space<semaphore_mem>>)
    %dma_wait3A_550 = arith.constant 0 : i32
    %dma_wait3A_551 = arith.constant 0 : i32
    %dma_wait3A_552 = tpu.memref_slice %arg4[%dma_wait3A_550, %dma_wait3A_551] : memref<200000x128xf32, #tpu.memory_space<hbm>> -> memref<125x128xf32, #tpu.memory_space<hbm>>
    %dma_wait3A_553 = arith.constant 0 : i32
    %dma_wait3A_554 = arith.constant 0 : i32
    %dma_wait3A_555 = tpu.memref_slice %arg4[%dma_wait3A_553, %dma_wait3A_554] : memref<200000x128xf32, #tpu.memory_space<hbm>> -> memref<125x128xf32, #tpu.memory_space<hbm>>
    tpu.wait_dma2 semaphore(%arg21 : memref<!tpu.dma_semaphore, #tpu.memory_space<semaphore_mem>>) src(%arg7 : memref<125x128xf32, #tpu.memory_space<vmem>>) dst(%dma_wait3A_555 : memref<125x128xf32, #tpu.memory_space<hbm>>)
    %dma_wait3A_556 = arith.constant 0 : i32
    %dma_wait3A_557 = arith.constant 0 : i32
    %dma_wait3A_558 = tpu.memref_slice %arg4[%dma_wait3A_556, %dma_wait3A_557] : memref<200000x128xf32, #tpu.memory_space<hbm>> -> memref<125x128xf32, #tpu.memory_space<hbm>>
    %dma_wait3A_559 = arith.constant 0 : i32
    %dma_wait3A_560 = arith.constant 0 : i32
    %dma_wait3A_561 = tpu.memref_slice %arg4[%dma_wait3A_559, %dma_wait3A_560] : memref<200000x128xf32, #tpu.memory_space<hbm>> -> memref<125x128xf32, #tpu.memory_space<hbm>>
    tpu.wait_dma2 semaphore(%arg22 : memref<!tpu.dma_semaphore, #tpu.memory_space<semaphore_mem>>) src(%arg8 : memref<125x128xf32, #tpu.memory_space<vmem>>) dst(%dma_wait3A_561 : memref<125x128xf32, #tpu.memory_space<hbm>>)
    %dma_wait3A_562 = arith.constant 0 : i32
    %dma_wait3A_563 = arith.constant 0 : i32
    %dma_wait3A_564 = tpu.memref_slice %arg4[%dma_wait3A_562, %dma_wait3A_563] : memref<200000x128xf32, #tpu.memory_space<hbm>> -> memref<125x128xf32, #tpu.memory_space<hbm>>
    %dma_wait3A_565 = arith.constant 0 : i32
    %dma_wait3A_566 = arith.constant 0 : i32
    %dma_wait3A_567 = tpu.memref_slice %arg4[%dma_wait3A_565, %dma_wait3A_566] : memref<200000x128xf32, #tpu.memory_space<hbm>> -> memref<125x128xf32, #tpu.memory_space<hbm>>
    tpu.wait_dma2 semaphore(%arg23 : memref<!tpu.dma_semaphore, #tpu.memory_space<semaphore_mem>>) src(%arg9 : memref<125x128xf32, #tpu.memory_space<vmem>>) dst(%dma_wait3A_567 : memref<125x128xf32, #tpu.memory_space<hbm>>)
    %dma_wait3A_568 = arith.constant 0 : i32
    %dma_wait3A_569 = arith.constant 0 : i32
    %dma_wait3A_570 = tpu.memref_slice %arg4[%dma_wait3A_568, %dma_wait3A_569] : memref<200000x128xf32, #tpu.memory_space<hbm>> -> memref<125x128xf32, #tpu.memory_space<hbm>>
    %dma_wait3A_571 = arith.constant 0 : i32
    %dma_wait3A_572 = arith.constant 0 : i32
    %dma_wait3A_573 = tpu.memref_slice %arg4[%dma_wait3A_571, %dma_wait3A_572] : memref<200000x128xf32, #tpu.memory_space<hbm>> -> memref<125x128xf32, #tpu.memory_space<hbm>>
    tpu.wait_dma2 semaphore(%arg24 : memref<!tpu.dma_semaphore, #tpu.memory_space<semaphore_mem>>) src(%arg10 : memref<125x128xf32, #tpu.memory_space<vmem>>) dst(%dma_wait3A_573 : memref<125x128xf32, #tpu.memory_space<hbm>>)
    %dma_wait3A_574 = arith.constant 0 : i32
    %dma_wait3A_575 = arith.constant 0 : i32
    %dma_wait3A_576 = tpu.memref_slice %arg4[%dma_wait3A_574, %dma_wait3A_575] : memref<200000x128xf32, #tpu.memory_space<hbm>> -> memref<125x128xf32, #tpu.memory_space<hbm>>
    %dma_wait3A_577 = arith.constant 0 : i32
    %dma_wait3A_578 = arith.constant 0 : i32
    %dma_wait3A_579 = tpu.memref_slice %arg4[%dma_wait3A_577, %dma_wait3A_578] : memref<200000x128xf32, #tpu.memory_space<hbm>> -> memref<125x128xf32, #tpu.memory_space<hbm>>
    tpu.wait_dma2 semaphore(%arg25 : memref<!tpu.dma_semaphore, #tpu.memory_space<semaphore_mem>>) src(%arg11 : memref<125x128xf32, #tpu.memory_space<vmem>>) dst(%dma_wait3A_579 : memref<125x128xf32, #tpu.memory_space<hbm>>)
    %dma_wait3A_580 = arith.constant 0 : i32
    %dma_wait3A_581 = arith.constant 0 : i32
    %dma_wait3A_582 = tpu.memref_slice %arg4[%dma_wait3A_580, %dma_wait3A_581] : memref<200000x128xf32, #tpu.memory_space<hbm>> -> memref<125x128xf32, #tpu.memory_space<hbm>>
    %dma_wait3A_583 = arith.constant 0 : i32
    %dma_wait3A_584 = arith.constant 0 : i32
    %dma_wait3A_585 = tpu.memref_slice %arg4[%dma_wait3A_583, %dma_wait3A_584] : memref<200000x128xf32, #tpu.memory_space<hbm>> -> memref<125x128xf32, #tpu.memory_space<hbm>>
    tpu.wait_dma2 semaphore(%arg26 : memref<!tpu.dma_semaphore, #tpu.memory_space<semaphore_mem>>) src(%arg12 : memref<125x128xf32, #tpu.memory_space<vmem>>) dst(%dma_wait3A_585 : memref<125x128xf32, #tpu.memory_space<hbm>>)
    %dma_wait3A_586 = arith.constant 0 : i32
    %dma_wait3A_587 = arith.constant 0 : i32
    %dma_wait3A_588 = tpu.memref_slice %arg4[%dma_wait3A_586, %dma_wait3A_587] : memref<200000x128xf32, #tpu.memory_space<hbm>> -> memref<125x128xf32, #tpu.memory_space<hbm>>
    %dma_wait3A_589 = arith.constant 0 : i32
    %dma_wait3A_590 = arith.constant 0 : i32
    %dma_wait3A_591 = tpu.memref_slice %arg4[%dma_wait3A_589, %dma_wait3A_590] : memref<200000x128xf32, #tpu.memory_space<hbm>> -> memref<125x128xf32, #tpu.memory_space<hbm>>
    tpu.wait_dma2 semaphore(%arg20 : memref<!tpu.dma_semaphore, #tpu.memory_space<semaphore_mem>>) src(%arg6 : memref<125x128xf32, #tpu.memory_space<vmem>>) dst(%dma_wait3A_591 : memref<125x128xf32, #tpu.memory_space<hbm>>)
    return
  }
}

</mosaic_0001>

<sc_bundles>
// kernel: kernel.3.cloned.1.call-start
scs
__scs_entry_jumppad:
0x0: {  	(pc) =	sbr.rel $0x88, $3  }
0x1: {  	(tag) =	ssettag $0x0;
	lr =	simm.s32 $0x1  }
0x2: {  	[smem:$0x3F9F] =	sst lr;
	_ =	strace $0xD0000000  }
0x3: {  	_ = 	snop  }
0x4: {  	_ = 	snop  }
0x5: {  	_ = 	snop  }
0x6: {  	_ = 	snop  }
0x7: {  	_ = 	snop  }
__scs_overlays_trampoline_lowered:
0x8: {  	[smem:$0x3FAE] =	sst s0  }
0x9: {  	[smem:$0x3FAF] =	sst s1  }
0xa: {  	[smem:$0x3FB0] =	sst s2  }
0xb: {  	[smem:$0x3FB1] =	sst s3  }
0xc: {  	[smem:$0x3FB2] =	sst s4  }
0xd: {  	[smem:$0x3FB3] =	sst s5  }
0xe: {  	[smem:$0x3FB4] =	sst s6  }
0xf: {  	[smem:$0x3FB5] =	sst s7  }
0x10: {  	[smem:$0x3FB6] =	sst s8  }
0x11: {  	[smem:$0x3FB7] =	sst s9;
	s0 =	simm.s32 @!p0 $0x0  }
0x12: {  	s1 =	sld [smem:$0x3F9D];
	s0 =	simm.s32 @p0 $0x1  }
0x13: {  	[smem:$0x3FB8] =	sst s0;
	s0 =	simm.s32 @!p1 $0x0  }
0x14: {  	s2 =	sld [smem:$0x3F9C];
	s0 =	simm.s32 @p1 $0x1  }
0x15: {  	[smem:$0x3FB9] =	sst s0;
	s0 =	simm.s32 @!p2 $0x0  }
0x16: {  	s3 =	sld [smem:$0x3FDB];
	s0 =	simm.s32 @p2 $0x1  }
0x17: {  	s4 =	simm.s32 $0x1BF5;
	[smem:$0x3FBB] =	sst s0  }
0x18: {  	s0 =	sld [smem:$0x3F9E];
	_ =	swait.ge [sflag:s4], $0x0  }
0x19: {  	s7 =	sld [smem:$0x3F9F]  }
0x1a: {  	s8 =	sadd.s32 $0xFFFFE003, lr  }
0x1b: {  	s9 =	sadd.s32 $0xFFFFFEF7, lr;
	s5 =	simm.s32 $0xFFFFFFFF;
	p2 =	slt.u32 s8, $0xFFFFF086  }
0x1c: {  	p1 =	slt.u32 s9, $0xF7A;
	s5 =	simm.s32 @!p2 $0x0  }
0x1d: {  	s5 =	simm.s32 @p1 $0x1;
	p0 =	seq.s32 s7, s2  }
0x1e: {  	s7 =	smul.u32 @!p0 $0xF7A, s2;
	p2 =	seq.s32 @!p0 s5, $0x0  }
0x1f: {  	s9 =	smul.u32 $0xF7A, s1;
	s8 =	simm.s32 @!p0 $0x1BF5;
	p2 =	por !p2, p0  }
0x20: {  	[sflag:s8] =	ssyncset.s32 @!p0 $0xFFFFF086;
	s6 =	sadd.s32 @!p0 s3, s7;
	s7 =	simm.s32 @!p0 $0x108  }
0x21: {  	s3 =	sadd.s32 s3, s9;
	s6 =	sadd.s32 @!p0 $0x88, s6;
	s7 =	simm.s32 @p2 $0x1082  }
0x22: {  	[simem:s7], [sflag:s8] =	dma.local @!p0 [hbm:s6], $0xF7A  }
0x23: {  	s9 =	sor.u32 $0xD0000000, s2;
	s6 =	simm.s32 $0x108;
	_ =	swait.ge @!p0 [sflag:s8], $0x0  }
0x24: {  	s3 =	sadd.s32 $0x88, s3;
	s6 =	simm.s32 @!p1 $0x1082;
	[sflag:s4] =	ssyncset.s32 $0xFFFFF086  }
0x25: {  	[simem:s6], [sflag:s4] =	dma.local [hbm:s3], $0xF7A  }
0x26: {  	[smem:$0x3F9F] =	sst s1;
	(tag) =	ssettag s2;
	_ =	strace s9  }
0x27: {  	s1 =	sld [smem:$0x3FAF]  }
0x28: {  	s2 =	sld [smem:$0x3FB0]  }
0x29: {  	s4 =	sld [smem:$0x3FB2]  }
0x2a: {  	p0 =	seq.s32 s5, $0x0;
	s5 =	sld [smem:$0x3FB3]  }
0x2b: {  	s6 =	sld [smem:$0x3FB4]  }
0x2c: {  	s7 =	sld [smem:$0x3FB5]  }
0x2d: {  	s3 =	simm.s32 $0x108;
	s8 =	sld [smem:$0x3FB6]  }
0x2e: {  	s3 =	simm.s32 @!p0 $0x1082;
	s9 =	sld [smem:$0x3FB7]  }
0x2f: {  	lr =	sadd.s32 s0, s3;
	s0 =	sld [smem:$0x3FAE]  }
0x30: {  	s3 =	sld [smem:$0x3FB1]  }
0x31: {  	[smem:$0x3FBA] =	sst s10  }
0x32: {  	s10 =	sld [smem:$0x3FB8];
	_ =	sdelay $0x3  }
0x33: {  	p0 =	seq.s32 s10, $0x1;
	s10 =	sld [smem:$0x3FBA];
	_ =	sdelay $0x3  }
0x34: {  	[smem:$0x3FBA] =	sst s10  }
0x35: {  	s10 =	sld [smem:$0x3FB9];
	_ =	sdelay $0x3  }
0x36: {  	p1 =	seq.s32 s10, $0x1;
	s10 =	sld [smem:$0x3FBA];
	_ =	sdelay $0x3  }
0x37: {  	[smem:$0x3FBA] =	sst s10  }
0x38: {  	s10 =	sld [smem:$0x3FBB]  }
0x39: {  	_ = 	snop;
	(pc) =	sbr.ind lr, $3  }
0x3a: {  	_ = 	snop  }
0x3b: {  	_ = 	snop  }
0x3c: {  	p2 =	seq.s32 s10, $0x1;
	s10 =	sld [smem:$0x3FBA]  }
0x3d: {  	_ =	shalt  }
0x3e: {  	_ =	shalt  }
0x3f: {  	_ =	shalt  }
0x40: {  	_ =	shalt  }
0x41: {  	_ =	shalt  }
0x42: {  	_ =	shalt  }
0x43: {  	_ =	shalt  }
0x44: {  	_ =	shalt  }
0x45: {  	_ =	shalt  }
0x46: {  	_ =	shalt  }
0x47: {  	_ =	shalt  }
0x48: {  	_ =	shalt  }
0x49: {  	_ =	shalt  }
0x4a: {  	_ =	shalt  }
0x4b: {  	_ =	shalt  }
0x4c: {  	_ =	shalt  }
0x4d: {  	_ =	shalt  }
0x4e: {  	_ =	shalt  }
0x4f: {  	_ =	shalt  }
0x50: {  	_ =	shalt  }
0x51: {  	_ =	shalt  }
0x52: {  	_ =	shalt  }
0x53: {  	_ =	shalt  }
0x54: {  	_ =	shalt  }
0x55: {  	_ =	shalt  }
0x56: {  	_ =	shalt  }
0x57: {  	_ =	shalt  }
0x58: {  	_ =	shalt  }
0x59: {  	_ =	shalt  }
0x5a: {  	_ =	shalt  }
0x5b: {  	_ =	shalt  }
0x5c: {  	_ =	shalt  }
0x5d: {  	_ =	shalt  }
0x5e: {  	_ =	shalt  }
0x5f: {  	_ =	shalt  }
0x60: {  	_ =	shalt  }
0x61: {  	_ =	shalt  }
0x62: {  	_ =	shalt  }
0x63: {  	_ =	shalt  }
0x64: {  	_ =	shalt  }
0x65: {  	_ =	shalt  }
0x66: {  	_ =	shalt  }
0x67: {  	_ =	shalt  }
0x68: {  	_ =	shalt  }
0x69: {  	_ =	shalt  }
0x6a: {  	_ =	shalt  }
0x6b: {  	_ =	shalt  }
0x6c: {  	_ =	shalt  }
0x6d: {  	_ =	shalt  }
0x6e: {  	_ =	shalt  }
0x6f: {  	_ =	shalt  }
0x70: {  	_ =	shalt  }
0x71: {  	_ =	shalt  }
0x72: {  	_ =	shalt  }
0x73: {  	_ =	shalt  }
0x74: {  	_ =	shalt  }
0x75: {  	_ =	shalt  }
0x76: {  	_ =	shalt  }
0x77: {  	_ =	shalt  }
0x78: {  	_ =	shalt  }
0x79: {  	_ =	shalt  }
0x7a: {  	_ =	shalt  }
0x7b: {  	_ =	shalt  }
0x7c: {  	_ =	shalt  }
0x7d: {  	_ =	shalt  }
0x7e: {  	_ =	shalt  }
0x7f: {  	_ =	shalt  }
0x80: {  	_ =	shalt  }
0x81: {  	_ =	shalt  }
0x82: {  	_ =	shalt  }
0x83: {  	_ =	shalt  }
0x84: {  	_ =	shalt  }
0x85: {  	_ =	shalt  }
0x86: {  	_ =	shalt  }
0x87: {  	_ =	shalt  }
.Lfunc_end0:
.L_simem_size_0:
called_computation_lowered:
.L_overlay_start_0:
0x88: {  	s2 =	sld [smem:$0x3FD9]  }
0x89: {  	s3 =	sld [smem:$0x3FFE];
	_ =	sdelay $0x1  }
0x8a: {  	s1 =	srdreg.scid  }
0x8b: {  	s0 =	sand.u32 $0x1, s1  }
0x8c: {  	s17 =	sshll.u32 s0, $0xA;
	s2 =	sadd.s32 s3, s2  }
0x8d: {  	s2 =	sadd.s32 s2, s17  }
0x8e: {  	[smem:$0x3FC6] =	sst s2  }
0x8f: {  	_ = 	snop  }
0x90: {  	s2 =	sld [smem:$0x3FC9]  }
0x91: {  	s18 =	sld [smem:$0x3FD0];
	(tm) =	ssettm $0x1  }
0x92: {  	s4 =	sld [smem:$0x3FFB];
	_ =	sdelay $0x3  }
0x93: {  	_ =	strace s4  }
0x94: {  	s4 =	sld [smem:$0x3FFC];
	_ =	sdelay $0x3  }
0x95: {  	_ =	strace s4  }
0x96: {  	s4 =	sld [smem:$0x3FFD];
	_ =	sdelay $0x3  }
0x97: {  	_ =	strace s4  }
0x98: {  	_ =	strace $0x8FFFFFFF  }
0x99: {  	s19 =	sld [smem:$0x3FDB];
	_ =	sdelay $0x1  }
0x9a: {  	s5 =	simm.s32 $_scs_section_size  }
0x9b: {  	s6 =	simm.s32 $_size__tile_overlayer_lowered;
	s7 =	simm.s32 $_tile_overlayer_lowered  }
0x9c: {  	s22 =	simm.s32 $0x1BFF;
	s21 =	sshll.u32 s7, $0x1;
	s4 =	sadd.s32 s5, s19  }
0x9d: {  	s8 =	simm.s32 $0x0;
	s20 =	sshll.u32 s6, $0x1;
	s6 =	sadd.s32 s21, s4  }
0x9e: {  	[timem:s8], [sflag:s22] =	dma.local [hbm:s6], s20  }
0x9f: {  	_ =	swait.ge [sflag:s22], s20  }
0xa0: {  	s5 =	ssub.s32 $0x0, s20;
	[sflag:s22] =	ssyncset.done $0x0  }
0xa1: {  	[sflag:s22] =	ssyncadd.s32 s5;
	_ =	sdelay $0x1  }
0xa2: {  	s23 =	simm.s32 $0x1B8B  }
0xa3: {  	_ =	swait.ge [sflag:s23], $0x1  }
0xa4: {  	[sflag:s23] =	ssyncset.done $0x0  }
0xa5: {  	s25 =	simm.s32 $0x1B8E;
	s24 =	sld [smem:$0x3FFE];
	[sflag:s23] =	ssyncadd.s32 $0xFFFFFFFF  }
0xa6: {  	s26 =	simm.s32 $execute0_lowered;
	[smem:$0x3FD2] =	sst s25  }
0xa7: {  	s6 =	sshll.u32 s26, $0x1;
	_ =	strace $0x80000046;
	[dreg:$0x1] =	wrdreg $0xFFFFFFFF  }
0xa8: {  	s28 =	simm.s32 $_size_execute0_lowered;
	s4 =	sadd.s32 s4, s6;
	[dreg:$0x0] =	wrdreg $0x0  }
0xa9: {  	s6 =	sshll.u32 s28, $0x1;
	[dreg:$0x2] =	wrdreg s4  }
0xaa: {  	[dreg:$0x3] =	wrdreg s6  }
0xab: {  	[dreg:$0x4] =	wrdreg $0xC0  }
0xac: {  	_ =	task [dreg:s8], $0x5FFFF  }
0xad: {  	[dreg:$0x1] =	wrdreg $0xFFFFFFFF  }
0xae: {  	[dreg:$0x0] =	wrdreg $0x60  }
0xaf: {  	[dreg:$0x2] =	wrdreg s2  }
0xb0: {  	[dreg:$0x3] =	wrdreg s24  }
0xb1: {  	[dreg:$0x4] =	wrdreg s18  }
0xb2: {  	[dreg:$0x5] =	wrdreg $0x9  }
0xb3: {  	_ =	task.clear_ibuf [dreg:s8], $0x6FFFF;
	_ =	strace $0x90000046  }
0xb4: {  	s29 =	simm.s32 $0x9;
	_ =	strace $0x80000048  }
0xb5: {  	_ =	swait.ge [sflag:s29], $0x1  }
0xb6: {  	[sflag:s29] =	ssyncadd.s32 $0xFFFFFFFF  }
0xb7: {  	_ =	strace $0x90000048  }
0xb8: {  	_ =	sfence  }
0xb9: {  	s30 =	sld [smem:$0x0];
	_ =	sdelay $0x2  }
0xba: {  	s31 =	sshll.u32 s1, $0xD;
	s1 =	sshrl.u32 s1, $0x2  }
0xbb: {  	s3 =	sand.u32 $0x4000, s31;
	s1 =	sadd.s32 s1, s30  }
0xbc: {  	s0 =	sor.u32 s3, s0;
	s1 =	sshll.u32 s1, $0x11  }
0xbd: {  	s0 =	sor.u32 s1, s0  }
0xbe: {  	s0 =	sadd.s32 $0x8F2B, s0  }
0xbf: {  	[sflag:s0] =	ssyncadd.remote.s32 $0x1  }
0xc0: {  	_ =	sfence.sel $0xFFFF  }
0xc1: {  	[dreg:$0x0] =	wrdreg $0xFFFFFFFF;
	(pc) =	sbr.abs _section_cstart, $3  }
0xc2: {  	[dreg:$0x1] =	wrdreg $0xFFFFFFFF  }
0xc3: {  	_ =	task.clear_ibuf [dreg:s8], $0x2FFFF;
	_ =	strace $0x9FFFFFFF  }
0xc4: {  	(tm) =	ssettm $0x7FFFFFFF  }
0xc5: {  	_ =	shalt  }
tec
execute0_lowered:
.L_overlay_start_1:
0x0: {  	(tag) =	ssettag $0x1  }
0x1: {  	s0 =	rddreg [dreg:$0x0]  }
0x2: {  	s3 =	srdreg.scid;
	s10 =	stileid.u32  }
0x3: {  	s4 =	sand.u32 $0x1, s3;
	s5 =	sshll.u32 s10, $0x1;
	s7 =	sshrl.u32 s10, $0x2  }
0x4: {  	s1 =	rddreg [dreg:$0x1];
	s5 =	sor.u32 s4, s5;
	s7 =	smul.u32 $0xC3500, s7  }
0x5: {  	s2 =	rddreg [dreg:$0x2];
	s3 =	simm.s32 $0x0;
	s6 =	smul.u32 $0x320, s5  }
0x6: {  	[smem:$0x7FF] =	sst s3;
	s9 =	smul.u32 $0xC3500, s5  }
0x7: {  	_ =	strace $0x80000047;
	s21 =	smul.u32 $0x186A0, s5;
	s1 =	sadd.s32 s6, s1  }
0x8: {  	s5 =	sadd.s32 s0, s7;
	s22 =	sshrl.u32 s9, $0x3;
	s1 =	sadd.s32 $0x400, s1  }
0x9: {  	s0 =	sadd.s32 s2, s22;
	[dreg:$0xb] =	wrdreg s1;
	s1 =	sadd.s32 s2, s21  }
0xa: {  	s8 =	ssub.s32 $0x2, s4;
	s25 =	sadd.s32 $0x7D0, s0;
	[dreg:$0xc] =	wrdreg s1  }
0xb: {  	s20 =	sshrl.u32 s8, $0x1;
	s26 =	sadd.s32 $0xFA0, s0;
	[dreg:$0xd] =	wrdreg s25  }
0xc: {  	s6 =	ssub.s32 s8, s20;
	s8 =	sadd.s32 $0x1770, s0;
	[dreg:$0xe] =	wrdreg s26  }
0xd: {  	s9 =	sadd.s32 $0x1F40, s0;
	[dreg:$0xf] =	wrdreg s8  }
0xe: {  	s23 =	smul.u32 $0x30D4, s10;
	s10 =	sadd.s32 $0x2710, s0;
	[dreg:$0x10] =	wrdreg s9  }
0xf: {  	s11 =	sadd.s32 $0x2EE0, s0;
	[dreg:$0x11] =	wrdreg s10  }
0x10: {  	s29 =	simm.s32 $0x9600;
	s12 =	sadd.s32 $0x14820, s0;
	[dreg:$0x12] =	wrdreg s11  }
0x11: {  	s31 =	simm.s32 $0xD480;
	s13 =	sadd.s32 $0x14FF0, s0;
	[dreg:$0x13] =	wrdreg s12  }
0x12: {  	s28 =	simm.s32 $0x2;
	s14 =	sadd.s32 $0x157C0, s0;
	[dreg:$0x14] =	wrdreg s13  }
0x13: {  	s30 =	simm.s32 $0x3;
	s16 =	sadd.s32 $0x15F90, s0;
	[dreg:$0x15] =	wrdreg s14  }
0x14: {  	s24 =	smul.u32 $0x186A, s4;
	s18 =	sadd.s32 $0x16760, s0;
	[dreg:$0x16] =	wrdreg s16  }
0x15: {  	s4 =	simm.s32 $0x19000;
	s20 =	sadd.s32 $0x16F30, s0;
	[dreg:$0x17] =	wrdreg s18  }
0x16: {  	s7 =	simm.s32 $0x8;
	s22 =	sadd.s32 $0x17700, s0;
	[dreg:$0x18] =	wrdreg s20  }
0x17: {  	s0 =	sadd.s32 $0x17ED0, s0;
	s1 =	sadd.s32 s24, s23;
	[dreg:$0x19] =	wrdreg s22  }
0x18: {  	[dreg:$0x1a] =	wrdreg s0;
	s25 =	smax.u32 s6, $0x1;
	s22 =	simm.s32 $0xF  }
0x19: {  	s0 =	simm.s32 $0x15180;
	s6 =	simm.s32 $0x4;
	s8 =	simm.s32 $0x5  }
0x1a: {  	s9 =	simm.s32 $0x9;
	s10 =	simm.s32 $0x6;
	s1 =	sshll.u32 s1, $0x4  }
0x1b: {  	s11 =	simm.s32 $0xA;
	[dreg:$0x1b] =	wrdreg s25;
	s15 =	sadd.s32 $0x4E20, s1  }
0x1c: {  	s12 =	simm.s32 $0x7;
	s17 =	sadd.s32 $0x4650, s1;
	[dreg:$0x4] =	wrdreg s15  }
0x1d: {  	s13 =	simm.s32 $0xB;
	s19 =	sadd.s32 $0x3E80, s1;
	[dreg:$0x5] =	wrdreg s17  }
0x1e: {  	s14 =	simm.s32 $0xC;
	s21 =	sadd.s32 $0x36B0, s1;
	[dreg:$0x6] =	wrdreg s19  }
0x1f: {  	s16 =	simm.s32 $0xE;
	s23 =	sadd.s32 $0x6590, s1;
	[dreg:$0x7] =	wrdreg s21  }
0x20: {  	s25 =	simm.s32 $0x11300;
	s24 =	sadd.s32 $0x5DC0, s1;
	[dreg:$0x8] =	wrdreg s23  }
0x21: {  	s26 =	sadd.s32 $0x55F0, s1;
	s1 =	simm.s32 $0x1;
	[dreg:$0x9] =	wrdreg s24  }
0x22: {  	[dreg:$0xa] =	wrdreg s26;
	s23 =	simm.s32 $0x7D;
	s24 =	simm.s32 $0x1900  }
0x23: {  	s26 =	simm.s32 $0x5780;
	s15 =	simm.s32 $0xD;
	s17 =	simm.s32 $0x0  }
.LBB2_1:
0x24: {  	s18 =	rddreg [dreg:$0xb]  }
0x25: {  	[tilespmem:s3], [sflag:$0xF] =	stream.linear.gather [hbm4b:s18+s3], $0x1900, $0x38;
	[tilespmem:$0x1CE80] =	vst v63  }
0x26: {  	_ =	swait.ge [sflag:s22], $0x1900  }
0x27: {  	[sflag:s22] =	ssyncset.done $0x0  }
0x28: {  	[sflag:s22] =	ssyncadd.s32 $0xFFFFE700  }
0x29: {  	[tilespmem:s24], [sflag:$0x1] =	stream.indirect.gather [hbm4b:s5+s23], $0x80, s3, s23, $0xb8;
	[tilespmem:$0x1CE80] =	vst v63  }
0x2a: {  	s19 =	simm.s32 $0x80  }
0x2b: {  	[tilespmem:s26], [sflag:$0x2] =	stream.indirect.gather [hbm4b:s5+s23], $0x80, s19, s23, $0xb8;
	[tilespmem:$0x1CE80] =	vst v63  }
0x2c: {  	s20 =	simm.s32 $0x100  }
0x2d: {  	[tilespmem:s29], [sflag:$0x3] =	stream.indirect.gather [hbm4b:s5+s23], $0x80, s20, s23, $0xb8;
	[tilespmem:$0x1CE80] =	vst v63  }
0x2e: {  	s21 =	simm.s32 $0x180  }
0x2f: {  	[tilespmem:s31], [sflag:$0x4] =	stream.indirect.gather [hbm4b:s5+s23], $0x80, s21, s23, $0xb8;
	[tilespmem:$0x1CE80] =	vst v63  }
0x30: {  	_ =	swait.ge [sflag:s1], $0x3E80  }
0x31: {  	[sflag:s1] =	ssyncset.done $0x0  }
0x32: {  	s19 =	rddreg [dreg:$0xc];
	[sflag:s1] =	ssyncadd.s32 $0xFFFFC180  }
0x33: {  	[hbm4b:s19+s3] =	stream.linear.scatter [tilespmem:s24], [sflag:$0x8], $0x3E80, $0x38;
	[tilespmem:$0x1CE80] =	vst v63  }
0x34: {  	s20 =	simm.s32 $0x200  }
0x35: {  	[tilespmem:s25], [sflag:$0x5] =	stream.indirect.gather [hbm4b:s5+s23], $0x80, s20, s23, $0xb8;
	[tilespmem:$0x1CE80] =	vst v63  }
0x36: {  	_ =	swait.ge [sflag:s28], $0x3E80  }
0x37: {  	[sflag:s28] =	ssyncset.done $0x0  }
0x38: {  	s21 =	rddreg [dreg:$0xd];
	[sflag:s28] =	ssyncadd.s32 $0xFFFFC180  }
0x39: {  	[hbm4b:s21+s3] =	stream.linear.scatter [tilespmem:s26], [sflag:$0x9], $0x3E80, $0x38;
	[tilespmem:$0x1CE80] =	vst v63  }
0x3a: {  	s19 =	simm.s32 $0x280  }
0x3b: {  	[tilespmem:s0], [sflag:$0x6] =	stream.indirect.gather [hbm4b:s5+s23], $0x80, s19, s23, $0xb8;
	[tilespmem:$0x1CE80] =	vst v63  }
0x3c: {  	_ =	swait.ge [sflag:s30], $0x3E80  }
0x3d: {  	[sflag:s30] =	ssyncset.done $0x0  }
0x3e: {  	s20 =	rddreg [dreg:$0xe];
	[sflag:s30] =	ssyncadd.s32 $0xFFFFC180  }
0x3f: {  	[hbm4b:s20+s3] =	stream.linear.scatter [tilespmem:s29], [sflag:$0xA], $0x3E80, $0x38;
	[tilespmem:$0x1CE80] =	vst v63  }
0x40: {  	s21 =	simm.s32 $0x300  }
0x41: {  	[tilespmem:s4], [sflag:$0x7] =	stream.indirect.gather [hbm4b:s5+s23], $0x80, s21, s23, $0xb8;
	[tilespmem:$0x1CE80] =	vst v63  }
0x42: {  	_ =	swait.ge [sflag:s6], $0x3E80  }
0x43: {  	[sflag:s6] =	ssyncset.done $0x0  }
0x44: {  	s19 =	rddreg [dreg:$0xf];
	[sflag:s6] =	ssyncadd.s32 $0xFFFFC180  }
0x45: {  	[hbm4b:s19+s3] =	stream.linear.scatter [tilespmem:s31], [sflag:$0xB], $0x3E80, $0x38;
	[tilespmem:$0x1CE80] =	vst v63  }
0x46: {  	_ =	swait.ge [sflag:s7], $0x3E80  }
0x47: {  	[sflag:s7] =	ssyncset.done $0x0  }
0x48: {  	s20 =	simm.s32 $0x380;
	[sflag:s7] =	ssyncadd.s32 $0xFFFFC180  }
0x49: {  	[tilespmem:s24], [sflag:$0x1] =	stream.indirect.gather [hbm4b:s5+s23], $0x80, s20, s23, $0xb8;
	[tilespmem:$0x1CE80] =	vst v63  }
0x4a: {  	_ =	swait.ge [sflag:s8], $0x3E80  }
0x4b: {  	[sflag:s8] =	ssyncset.done $0x0  }
0x4c: {  	s21 =	rddreg [dreg:$0x10];
	[sflag:s8] =	ssyncadd.s32 $0xFFFFC180  }
0x4d: {  	[hbm4b:s21+s3] =	stream.linear.scatter [tilespmem:s25], [sflag:$0xC], $0x3E80, $0x38;
	[tilespmem:$0x1CE80] =	vst v63  }
0x4e: {  	_ =	swait.ge [sflag:s9], $0x3E80  }
0x4f: {  	[sflag:s9] =	ssyncset.done $0x0  }
0x50: {  	s19 =	simm.s32 $0x400;
	[sflag:s9] =	ssyncadd.s32 $0xFFFFC180  }
0x51: {  	[tilespmem:s26], [sflag:$0x2] =	stream.indirect.gather [hbm4b:s5+s23], $0x80, s19, s23, $0xb8;
	[tilespmem:$0x1CE80] =	vst v63  }
0x52: {  	_ =	swait.ge [sflag:s10], $0x3E80  }
0x53: {  	[sflag:s10] =	ssyncset.done $0x0  }
0x54: {  	s20 =	rddreg [dreg:$0x11];
	[sflag:s10] =	ssyncadd.s32 $0xFFFFC180  }
0x55: {  	[hbm4b:s20+s3] =	stream.linear.scatter [tilespmem:s0], [sflag:$0xD], $0x3E80, $0x38;
	[tilespmem:$0x1CE80] =	vst v63  }
0x56: {  	_ =	swait.ge [sflag:s11], $0x3E80  }
0x57: {  	[sflag:s11] =	ssyncset.done $0x0  }
0x58: {  	s21 =	simm.s32 $0x480;
	[sflag:s11] =	ssyncadd.s32 $0xFFFFC180  }
0x59: {  	[tilespmem:s29], [sflag:$0x3] =	stream.indirect.gather [hbm4b:s5+s23], $0x80, s21, s23, $0xb8;
	[tilespmem:$0x1CE80] =	vst v63  }
0x5a: {  	_ =	swait.ge [sflag:s12], $0x3E80  }
0x5b: {  	[sflag:s12] =	ssyncset.done $0x0  }
0x5c: {  	s19 =	rddreg [dreg:$0x12];
	[sflag:s12] =	ssyncadd.s32 $0xFFFFC180  }
0x5d: {  	[hbm4b:s19+s3] =	stream.linear.scatter [tilespmem:s4], [sflag:$0xE], $0x3E80, $0x38;
	[tilespmem:$0x1CE80] =	vst v63  }
0x5e: {  	_ =	swait.ge [sflag:s13], $0x3E80  }
0x5f: {  	[sflag:s13] =	ssyncset.done $0x0  }
0x60: {  	s20 =	simm.s32 $0x500;
	[sflag:s13] =	ssyncadd.s32 $0xFFFFC180  }
0x61: {  	[tilespmem:s31], [sflag:$0x4] =	stream.indirect.gather [hbm4b:s5+s23], $0x80, s20, s23, $0xb8;
	[tilespmem:$0x1CE80] =	vst v63  }
0x62: {  	_ =	swait.ge [sflag:s1], $0x3E80  }
0x63: {  	s21 =	rddreg [dreg:$0x7];
	[sflag:s1] =	ssyncset.done $0x0  }
0x64: {  	[sflag:s1] =	ssyncadd.s32 $0xFFFFC180;
	s18 =	sadd.s32 s2, s21  }
0x65: {  	[hbm4b:s18+s3] =	stream.linear.scatter [tilespmem:s24], [sflag:$0x8], $0x3E80, $0x38;
	[tilespmem:$0x1CE80] =	vst v63  }
0x66: {  	_ =	swait.ge [sflag:s14], $0x3E80  }
0x67: {  	[sflag:s14] =	ssyncset.done $0x0  }
0x68: {  	s19 =	simm.s32 $0x580;
	[sflag:s14] =	ssyncadd.s32 $0xFFFFC180  }
0x69: {  	[tilespmem:s25], [sflag:$0x5] =	stream.indirect.gather [hbm4b:s5+s23], $0x80, s19, s23, $0xb8;
	[tilespmem:$0x1CE80] =	vst v63  }
0x6a: {  	_ =	swait.ge [sflag:s28], $0x3E80  }
0x6b: {  	s20 =	rddreg [dreg:$0x6];
	[sflag:s28] =	ssyncset.done $0x0  }
0x6c: {  	[sflag:s28] =	ssyncadd.s32 $0xFFFFC180;
	s18 =	sadd.s32 s2, s20  }
0x6d: {  	[hbm4b:s18+s3] =	stream.linear.scatter [tilespmem:s26], [sflag:$0x9], $0x3E80, $0x38;
	[tilespmem:$0x1CE80] =	vst v63  }
0x6e: {  	_ =	swait.ge [sflag:s15], $0x3E80  }
0x6f: {  	[sflag:s15] =	ssyncset.done $0x0  }
0x70: {  	s21 =	simm.s32 $0x600;
	[sflag:s15] =	ssyncadd.s32 $0xFFFFC180  }
0x71: {  	[tilespmem:s0], [sflag:$0x6] =	stream.indirect.gather [hbm4b:s5+s23], $0x80, s21, s23, $0xb8;
	[tilespmem:$0x1CE80] =	vst v63  }
0x72: {  	_ =	swait.ge [sflag:s30], $0x3E80  }
0x73: {  	s19 =	rddreg [dreg:$0x5];
	[sflag:s30] =	ssyncset.done $0x0  }
0x74: {  	[sflag:s30] =	ssyncadd.s32 $0xFFFFC180;
	s18 =	sadd.s32 s2, s19  }
0x75: {  	[hbm4b:s18+s3] =	stream.linear.scatter [tilespmem:s29], [sflag:$0xA], $0x3E80, $0x38;
	[tilespmem:$0x1CE80] =	vst v63  }
0x76: {  	_ =	swait.ge [sflag:s16], $0x3E80  }
0x77: {  	[sflag:s16] =	ssyncset.done $0x0  }
0x78: {  	s20 =	simm.s32 $0x680;
	[sflag:s16] =	ssyncadd.s32 $0xFFFFC180  }
0x79: {  	[tilespmem:s4], [sflag:$0x7] =	stream.indirect.gather [hbm4b:s5+s23], $0x80, s20, s23, $0xb8;
	[tilespmem:$0x1CE80] =	vst v63  }
0x7a: {  	_ =	swait.ge [sflag:s6], $0x3E80  }
0x7b: {  	s21 =	rddreg [dreg:$0x4];
	[sflag:s6] =	ssyncset.done $0x0  }
0x7c: {  	[sflag:s6] =	ssyncadd.s32 $0xFFFFC180;
	s18 =	sadd.s32 s2, s21  }
0x7d: {  	[hbm4b:s18+s3] =	stream.linear.scatter [tilespmem:s31], [sflag:$0xB], $0x3E80, $0x38;
	[tilespmem:$0x1CE80] =	vst v63  }
0x7e: {  	_ =	swait.ge [sflag:s7], $0x3E80  }
0x7f: {  	[sflag:s7] =	ssyncset.done $0x0  }
0x80: {  	s19 =	simm.s32 $0x700;
	[sflag:s7] =	ssyncadd.s32 $0xFFFFC180  }
0x81: {  	[tilespmem:s24], [sflag:$0x1] =	stream.indirect.gather [hbm4b:s5+s23], $0x80, s19, s23, $0xb8;
	[tilespmem:$0x1CE80] =	vst v63  }
0x82: {  	_ =	swait.ge [sflag:s8], $0x3E80  }
0x83: {  	s20 =	rddreg [dreg:$0xa];
	[sflag:s8] =	ssyncset.done $0x0  }
0x84: {  	[sflag:s8] =	ssyncadd.s32 $0xFFFFC180;
	s18 =	sadd.s32 s2, s20  }
0x85: {  	[hbm4b:s18+s3] =	stream.linear.scatter [tilespmem:s25], [sflag:$0xC], $0x3E80, $0x38;
	[tilespmem:$0x1CE80] =	vst v63  }
0x86: {  	_ =	swait.ge [sflag:s9], $0x3E80  }
0x87: {  	[sflag:s9] =	ssyncset.done $0x0  }
0x88: {  	s21 =	simm.s32 $0x780;
	[sflag:s9] =	ssyncadd.s32 $0xFFFFC180  }
0x89: {  	[tilespmem:s26], [sflag:$0x2] =	stream.indirect.gather [hbm4b:s5+s23], $0x80, s21, s23, $0xb8;
	[tilespmem:$0x1CE80] =	vst v63  }
0x8a: {  	_ =	swait.ge [sflag:s10], $0x3E80  }
0x8b: {  	s19 =	rddreg [dreg:$0x9];
	[sflag:s10] =	ssyncset.done $0x0  }
0x8c: {  	[sflag:s10] =	ssyncadd.s32 $0xFFFFC180;
	s18 =	sadd.s32 s2, s19  }
0x8d: {  	[hbm4b:s18+s3] =	stream.linear.scatter [tilespmem:s0], [sflag:$0xD], $0x3E80, $0x38;
	[tilespmem:$0x1CE80] =	vst v63  }
0x8e: {  	_ =	swait.ge [sflag:s11], $0x3E80  }
0x8f: {  	[sflag:s11] =	ssyncset.done $0x0  }
0x90: {  	s20 =	simm.s32 $0x800;
	[sflag:s11] =	ssyncadd.s32 $0xFFFFC180  }
0x91: {  	[tilespmem:s29], [sflag:$0x3] =	stream.indirect.gather [hbm4b:s5+s23], $0x80, s20, s23, $0xb8;
	[tilespmem:$0x1CE80] =	vst v63  }
0x92: {  	_ =	swait.ge [sflag:s12], $0x3E80  }
0x93: {  	s21 =	rddreg [dreg:$0x8];
	[sflag:s12] =	ssyncset.done $0x0  }
0x94: {  	[sflag:s12] =	ssyncadd.s32 $0xFFFFC180;
	s18 =	sadd.s32 s2, s21  }
0x95: {  	[hbm4b:s18+s3] =	stream.linear.scatter [tilespmem:s4], [sflag:$0xE], $0x3E80, $0x38;
	[tilespmem:$0x1CE80] =	vst v63  }
0x96: {  	_ =	swait.ge [sflag:s13], $0x3E80  }
0x97: {  	s19 =	sadd.s32 $0x36B0, s2;
	[sflag:s13] =	ssyncset.done $0x0  }
0x98: {  	s20 =	simm.s32 $0x880;
	s18 =	simm.s32 $0xE00;
	[sflag:s13] =	ssyncadd.s32 $0xFFFFC180  }
.LBB2_2:
0x99: {  	[tilespmem:s31], [sflag:$0x4] =	stream.indirect.gather [hbm4b:s5+s23], $0x80, s20, s23, $0xb8;
	[tilespmem:$0x1CE80] =	vst v63  }
0x9a: {  	_ =	swait.ge [sflag:s1], $0x3E80  }
0x9b: {  	s21 =	rddreg [dreg:$0x7];
	[sflag:s1] =	ssyncset.done $0x0  }
0x9c: {  	[sflag:s1] =	ssyncadd.s32 $0xFFFFC180;
	s21 =	sadd.s32 s19, s21  }
0x9d: {  	[hbm4b:s21+s3] =	stream.linear.scatter [tilespmem:s24], [sflag:$0x8], $0x3E80, $0x38;
	[tilespmem:$0x1CE80] =	vst v63  }
0x9e: {  	s20 =	smov.u32 s18;
	_ =	swait.ge [sflag:s14], $0x3E80  }
0x9f: {  	s20 =	sshra.s32 s20, $0x2;
	[sflag:s14] =	ssyncset.done $0x0  }
0xa0: {  	s21 =	sadd.s32 $0x580, s20;
	[sflag:s14] =	ssyncadd.s32 $0xFFFFC180  }
0xa1: {  	[tilespmem:s25], [sflag:$0x5] =	stream.indirect.gather [hbm4b:s5+s23], $0x80, s21, s23, $0xb8;
	[tilespmem:$0x1CE80] =	vst v63  }
0xa2: {  	_ =	swait.ge [sflag:s28], $0x3E80  }
0xa3: {  	s21 =	rddreg [dreg:$0x6];
	[sflag:s28] =	ssyncset.done $0x0  }
0xa4: {  	[sflag:s28] =	ssyncadd.s32 $0xFFFFC180;
	s21 =	sadd.s32 s19, s21  }
0xa5: {  	[hbm4b:s21+s3] =	stream.linear.scatter [tilespmem:s26], [sflag:$0x9], $0x3E80, $0x38;
	[tilespmem:$0x1CE80] =	vst v63  }
0xa6: {  	_ =	swait.ge [sflag:s15], $0x3E80  }
0xa7: {  	[sflag:s15] =	ssyncset.done $0x0  }
0xa8: {  	s21 =	sadd.s32 $0x600, s20;
	[sflag:s15] =	ssyncadd.s32 $0xFFFFC180  }
0xa9: {  	[tilespmem:s0], [sflag:$0x6] =	stream.indirect.gather [hbm4b:s5+s23], $0x80, s21, s23, $0xb8;
	[tilespmem:$0x1CE80] =	vst v63  }
0xaa: {  	_ =	swait.ge [sflag:s30], $0x3E80  }
0xab: {  	s21 =	rddreg [dreg:$0x5];
	[sflag:s30] =	ssyncset.done $0x0  }
0xac: {  	[sflag:s30] =	ssyncadd.s32 $0xFFFFC180;
	s21 =	sadd.s32 s19, s21  }
0xad: {  	[hbm4b:s21+s3] =	stream.linear.scatter [tilespmem:s29], [sflag:$0xA], $0x3E80, $0x38;
	[tilespmem:$0x1CE80] =	vst v63  }
0xae: {  	_ =	swait.ge [sflag:s16], $0x3E80  }
0xaf: {  	[sflag:s16] =	ssyncset.done $0x0  }
0xb0: {  	s21 =	sadd.s32 $0x680, s20;
	[sflag:s16] =	ssyncadd.s32 $0xFFFFC180  }
0xb1: {  	[tilespmem:s4], [sflag:$0x7] =	stream.indirect.gather [hbm4b:s5+s23], $0x80, s21, s23, $0xb8;
	[tilespmem:$0x1CE80] =	vst v63  }
0xb2: {  	_ =	swait.ge [sflag:s6], $0x3E80  }
0xb3: {  	s21 =	rddreg [dreg:$0x4];
	[sflag:s6] =	ssyncset.done $0x0  }
0xb4: {  	[sflag:s6] =	ssyncadd.s32 $0xFFFFC180;
	s21 =	sadd.s32 s19, s21  }
0xb5: {  	[hbm4b:s21+s3] =	stream.linear.scatter [tilespmem:s31], [sflag:$0xB], $0x3E80, $0x38;
	[tilespmem:$0x1CE80] =	vst v63  }
0xb6: {  	_ =	swait.ge [sflag:s7], $0x3E80  }
0xb7: {  	[sflag:s7] =	ssyncset.done $0x0  }
0xb8: {  	s21 =	sadd.s32 $0x700, s20;
	[sflag:s7] =	ssyncadd.s32 $0xFFFFC180  }
0xb9: {  	[tilespmem:s24], [sflag:$0x1] =	stream.indirect.gather [hbm4b:s5+s23], $0x80, s21, s23, $0xb8;
	[tilespmem:$0x1CE80] =	vst v63  }
0xba: {  	_ =	swait.ge [sflag:s8], $0x3E80  }
0xbb: {  	s21 =	rddreg [dreg:$0xa];
	[sflag:s8] =	ssyncset.done $0x0  }
0xbc: {  	[sflag:s8] =	ssyncadd.s32 $0xFFFFC180;
	s21 =	sadd.s32 s19, s21  }
0xbd: {  	[hbm4b:s21+s3] =	stream.linear.scatter [tilespmem:s25], [sflag:$0xC], $0x3E80, $0x38;
	[tilespmem:$0x1CE80] =	vst v63  }
0xbe: {  	_ =	swait.ge [sflag:s9], $0x3E80  }
0xbf: {  	[sflag:s9] =	ssyncset.done $0x0  }
0xc0: {  	s21 =	sadd.s32 $0x780, s20;
	[sflag:s9] =	ssyncadd.s32 $0xFFFFC180  }
0xc1: {  	[tilespmem:s26], [sflag:$0x2] =	stream.indirect.gather [hbm4b:s5+s23], $0x80, s21, s23, $0xb8;
	[tilespmem:$0x1CE80] =	vst v63  }
0xc2: {  	_ =	swait.ge [sflag:s10], $0x3E80  }
0xc3: {  	s21 =	rddreg [dreg:$0x9];
	[sflag:s10] =	ssyncset.done $0x0  }
0xc4: {  	[sflag:s10] =	ssyncadd.s32 $0xFFFFC180;
	s21 =	sadd.s32 s19, s21  }
0xc5: {  	[hbm4b:s21+s3] =	stream.linear.scatter [tilespmem:s0], [sflag:$0xD], $0x3E80, $0x38;
	[tilespmem:$0x1CE80] =	vst v63  }
0xc6: {  	_ =	swait.ge [sflag:s11], $0x3E80  }
0xc7: {  	[sflag:s11] =	ssyncset.done $0x0  }
0xc8: {  	s21 =	sadd.s32 $0x800, s20;
	[sflag:s11] =	ssyncadd.s32 $0xFFFFC180  }
0xc9: {  	[tilespmem:s29], [sflag:$0x3] =	stream.indirect.gather [hbm4b:s5+s23], $0x80, s21, s23, $0xb8;
	[tilespmem:$0x1CE80] =	vst v63  }
0xca: {  	_ =	swait.ge [sflag:s12], $0x3E80  }
0xcb: {  	p0 =	sne.s32 s18, $0x3800;
	s21 =	rddreg [dreg:$0x8];
	[sflag:s12] =	ssyncset.done $0x0  }
.Ltmp0:
0xcc: {  	[sflag:s12] =	ssyncadd.s32 $0xFFFFC180;
	s21 =	sadd.s32 s19, s21;
	(pc) =	sbr.rel @p0 .LBB2_2-.Ltmp0, $4  }
0xcd: {  	[hbm4b:s21+s3] =	stream.linear.scatter [tilespmem:s4], [sflag:$0xE], $0x3E80, $0x38;
	[tilespmem:$0x1CE80] =	vst v63  }
0xce: {  	_ =	swait.ge [sflag:s13], $0x3E80  }
0xcf: {  	s18 =	sadd.s32 $0xE00, s18;
	[sflag:s13] =	ssyncset.done $0x0  }
0xd0: {  	s20 =	sadd.s32 $0x880, s20;
	s19 =	sadd.s32 $0x36B0, s19;
	[sflag:s13] =	ssyncadd.s32 $0xFFFFC180  }
0xd1: {  	[tilespmem:s31], [sflag:$0x4] =	stream.indirect.gather [hbm4b:s5+s23], $0x80, s20, s23, $0xb8;
	[tilespmem:$0x1CE80] =	vst v63  }
0xd2: {  	_ =	swait.ge [sflag:s1], $0x3E80  }
0xd3: {  	[sflag:s1] =	ssyncset.done $0x0  }
0xd4: {  	s18 =	rddreg [dreg:$0x13];
	[sflag:s1] =	ssyncadd.s32 $0xFFFFC180  }
0xd5: {  	[hbm4b:s18+s3] =	stream.linear.scatter [tilespmem:s24], [sflag:$0x8], $0x3E80, $0x38;
	[tilespmem:$0x1CE80] =	vst v63  }
0xd6: {  	_ =	swait.ge [sflag:s14], $0x3E80  }
0xd7: {  	[sflag:s14] =	ssyncset.done $0x0  }
0xd8: {  	s19 =	simm.s32 $0x1700;
	[sflag:s14] =	ssyncadd.s32 $0xFFFFC180  }
0xd9: {  	[tilespmem:s25], [sflag:$0x5] =	stream.indirect.gather [hbm4b:s5+s23], $0x80, s19, s23, $0xb8;
	[tilespmem:$0x1CE80] =	vst v63  }
0xda: {  	_ =	swait.ge [sflag:s28], $0x3E80  }
0xdb: {  	[sflag:s28] =	ssyncset.done $0x0  }
0xdc: {  	s20 =	rddreg [dreg:$0x14];
	[sflag:s28] =	ssyncadd.s32 $0xFFFFC180  }
0xdd: {  	[hbm4b:s20+s3] =	stream.linear.scatter [tilespmem:s26], [sflag:$0x9], $0x3E80, $0x38;
	[tilespmem:$0x1CE80] =	vst v63  }
0xde: {  	_ =	swait.ge [sflag:s15], $0x3E80  }
0xdf: {  	[sflag:s15] =	ssyncset.done $0x0  }
0xe0: {  	s21 =	simm.s32 $0x1780;
	[sflag:s15] =	ssyncadd.s32 $0xFFFFC180  }
0xe1: {  	[tilespmem:s0], [sflag:$0x6] =	stream.indirect.gather [hbm4b:s5+s23], $0x80, s21, s23, $0xb8;
	[tilespmem:$0x1CE80] =	vst v63  }
0xe2: {  	_ =	swait.ge [sflag:s30], $0x3E80  }
0xe3: {  	[sflag:s30] =	ssyncset.done $0x0  }
0xe4: {  	s19 =	rddreg [dreg:$0x15];
	[sflag:s30] =	ssyncadd.s32 $0xFFFFC180  }
0xe5: {  	[hbm4b:s19+s3] =	stream.linear.scatter [tilespmem:s29], [sflag:$0xA], $0x3E80, $0x38;
	[tilespmem:$0x1CE80] =	vst v63  }
0xe6: {  	_ =	swait.ge [sflag:s16], $0x3E80  }
0xe7: {  	[sflag:s16] =	ssyncset.done $0x0  }
0xe8: {  	s20 =	simm.s32 $0x1800;
	[sflag:s16] =	ssyncadd.s32 $0xFFFFC180  }
0xe9: {  	[tilespmem:s4], [sflag:$0x7] =	stream.indirect.gather [hbm4b:s5+s23], $0x80, s20, s23, $0xb8;
	[tilespmem:$0x1CE80] =	vst v63  }
0xea: {  	_ =	swait.ge [sflag:s6], $0x3E80  }
0xeb: {  	[sflag:s6] =	ssyncset.done $0x0  }
0xec: {  	s21 =	rddreg [dreg:$0x16];
	[sflag:s6] =	ssyncadd.s32 $0xFFFFC180  }
0xed: {  	[hbm4b:s21+s3] =	stream.linear.scatter [tilespmem:s31], [sflag:$0xB], $0x3E80, $0x38;
	[tilespmem:$0x1CE80] =	vst v63  }
0xee: {  	_ =	swait.ge [sflag:s7], $0x3E80  }
0xef: {  	[sflag:s7] =	ssyncset.done $0x0  }
0xf0: {  	s19 =	simm.s32 $0x1880;
	[sflag:s7] =	ssyncadd.s32 $0xFFFFC180  }
0xf1: {  	[tilespmem:s24], [sflag:$0x1] =	stream.indirect.gather [hbm4b:s5+s23], $0x80, s19, s23, $0xb8;
	[tilespmem:$0x1CE80] =	vst v63  }
0xf2: {  	_ =	swait.ge [sflag:s8], $0x3E80  }
0xf3: {  	[sflag:s8] =	ssyncset.done $0x0  }
0xf4: {  	s20 =	rddreg [dreg:$0x17];
	[sflag:s8] =	ssyncadd.s32 $0xFFFFC180  }
0xf5: {  	[hbm4b:s20+s3] =	stream.linear.scatter [tilespmem:s25], [sflag:$0xC], $0x3E80, $0x38;
	[tilespmem:$0x1CE80] =	vst v63  }
0xf6: {  	_ =	swait.ge [sflag:s10], $0x3E80  }
0xf7: {  	[sflag:s10] =	ssyncset.done $0x0  }
0xf8: {  	s21 =	rddreg [dreg:$0x18];
	[sflag:s10] =	ssyncadd.s32 $0xFFFFC180  }
0xf9: {  	[hbm4b:s21+s3] =	stream.linear.scatter [tilespmem:s0], [sflag:$0xD], $0x3E80, $0x38;
	[tilespmem:$0x1CE80] =	vst v63  }
0xfa: {  	_ =	swait.ge [sflag:s12], $0x3E80  }
0xfb: {  	[sflag:s12] =	ssyncset.done $0x0  }
0xfc: {  	s19 =	rddreg [dreg:$0x19];
	[sflag:s12] =	ssyncadd.s32 $0xFFFFC180  }
0xfd: {  	[hbm4b:s19+s3] =	stream.linear.scatter [tilespmem:s4], [sflag:$0xE], $0x3E80, $0x38;
	[tilespmem:$0x1CE80] =	vst v63  }
0xfe: {  	_ =	swait.ge [sflag:s1], $0x3E80  }
0xff: {  	[sflag:s1] =	ssyncset.done $0x0  }
0x100: {  	s20 =	rddreg [dreg:$0x1a];
	[sflag:s1] =	ssyncadd.s32 $0xFFFFC180  }
0x101: {  	[hbm4b:s20+s3] =	stream.linear.scatter [tilespmem:s24], [sflag:$0x8], $0x3E80, $0x38;
	[tilespmem:$0x1CE80] =	vst v63  }
0x102: {  	_ =	swait.ge [sflag:s9], $0x3E80  }
0x103: {  	[sflag:s9] =	ssyncset.done $0x0  }
0x104: {  	[sflag:s9] =	ssyncadd.s32 $0xFFFFC180  }
0x105: {  	_ =	swait.ge [sflag:s11], $0x3E80  }
0x106: {  	[sflag:s11] =	ssyncset.done $0x0  }
0x107: {  	[sflag:s11] =	ssyncadd.s32 $0xFFFFC180  }
0x108: {  	_ =	swait.ge [sflag:s13], $0x3E80  }
0x109: {  	[sflag:s13] =	ssyncset.done $0x0  }
0x10a: {  	[sflag:s13] =	ssyncadd.s32 $0xFFFFC180  }
0x10b: {  	_ =	swait.ge [sflag:s14], $0x3E80  }
0x10c: {  	[sflag:s14] =	ssyncset.done $0x0  }
0x10d: {  	[sflag:s14] =	ssyncadd.s32 $0xFFFFC180  }
0x10e: {  	_ =	swait.ge [sflag:s15], $0x3E80  }
0x10f: {  	[sflag:s15] =	ssyncset.done $0x0  }
0x110: {  	[sflag:s15] =	ssyncadd.s32 $0xFFFFC180  }
0x111: {  	_ =	swait.ge [sflag:s16], $0x3E80  }
0x112: {  	[sflag:s16] =	ssyncset.done $0x0  }
0x113: {  	[sflag:s16] =	ssyncadd.s32 $0xFFFFC180  }
0x114: {  	_ =	swait.ge [sflag:s7], $0x3E80  }
0x115: {  	s17 =	sadd.s32 $0x1, s17;
	s21 =	rddreg [dreg:$0x1b]  }
0x116: {  	p0 =	sne.s32 s17, s21  }
.Ltmp1:
0x117: {  	_ = 	snop;
	(pc) =	sbr.rel @p0 .LBB2_1-.Ltmp1, $3  }
0x118: {  	_ =	sdelay $0x1  }
0x119: {  	[sflag:s7] =	ssyncset.done $0x0  }
0x11a: {  	[sflag:s7] =	ssyncadd.s32 $0xFFFFC180  }
0x11b: {  	_ =	sfence.sel $0x180000  }
0x11c: {  	[bflag:$0x0] =	sbarrier.arrive $0xFFFF  }
0x11d: {  	_ =	strace $0x90000047  }
0x11e: {  	s0 =	stileid.u32;
	[bflag:$0x2] =	sbarrier.arrive $0xFFFF  }
0x11f: {  	p0 =	sne.s32 s0, $0x0;
	s0 =	rddreg [dreg:$0x3]  }
0x120: {  	s0 =	sadd.s32 @!p0 $0x100000, s0  }
0x121: {  	[sflag:s0] =	ssyncadd.tile.s32 @!p0 $0x1;
	_ =	shalt  }
.Lfunc_end2:
_tile_overlayer_lowered:
.L_overlay_start_2:
0x122: {  	(tag) =	ssettag $0x2  }
0x123: {  	s0 =	rddreg [dreg:$0x0];
	s2 =	stileid.u32  }
0x124: {  	s1 =	rddreg [dreg:$0x1];
	p0 =	sne.s32 s2, $0x0  }
0x125: {  	s3 =	rddreg [dreg:$0x2];
	[bflag:$0x3] =	sbarrier.arrive $0xFFFF;
	s2 =	simm.s32 @!p0 $0x1C0F  }
0x126: {  	[timem:s3], [sflag:s2] =	dma.local @!p0 [hbm:s0], s1  }
0x127: {  	s0 =	simm.s32 @!p0 $0xF  }
0x128: {  	_ =	swait.ge @!p0 [sflag:s0], s1  }
0x129: {  	s1 =	ssub.s32 @!p0 $0x0, s1;
	[sflag:s0] =	ssyncset.done @!p0 $0x0  }
0x12a: {  	[sflag:s0] =	ssyncadd.s32 @!p0 s1  }
0x12b: {  	[bflag:$0x3] =	sbarrier.arrive $0xFFFF  }
0x12c: {  	_ =	shalt  }

</sc_bundles>
